<compile_context>
chip_gen: v7x
topology: tpu7x:2x2x1
jax: 0.10.2.dev20260603
libtpu: 0.0.44.dev20260713+nightly
codegen_flags: <defaults>
</compile_context>

<pallas_src>
import functools

import jax
import jax.numpy as jnp
import numpy as np
from jax.experimental import pallas as pl
from jax.experimental.pallas import tpu as pltpu

_DOWN = [0, 1, 2, 4, 5, 7, 8, 10, 11]
_LH = list(range(25, 40))
_RH = list(range(40, 55))
_UP = [3, 6, 9, 12, 13, 14, 15, 16, 17, 18, 19, 20, 21, 22, 23, 24]

_JC = 3
_RC = 6
_K = 512
_D = 64

_HIGH = jax.lax.Precision.DEFAULT


def _scatter_cols(w, joints, width_per_joint, out_cols):
    out = jnp.zeros(w.shape[:-1] + (out_cols,), dtype=w.dtype)
    for k, j in enumerate(joints):
        out = out.at[..., j * width_per_joint:(j + 1) * width_per_joint].set(
            w[..., k * width_per_joint:(k + 1) * width_per_joint])
    return out


def _prep_body(up_cb, dn_cb, lh_cb, rh_cb,
               up_w, dn_w, lh_w, rh_w, up_b, dn_b, lh_b, rh_b,
               t_up, t_dn, t_lh, t_rh,
               m2_up, m2_dn, m2_lh, m2_rh, cn):
    cbs = (up_cb[...], dn_cb[...], lh_cb[...], rh_cb[...])
    for cb, w, bias, tbl in zip(
            cbs, (up_w, dn_w, lh_w, rh_w), (up_b, dn_b, lh_b, rh_b),
            (t_up, t_dn, t_lh, t_rh)):
        tbl[...] = jax.lax.dot(cb, w[...], precision=_HIGH) + bias[...]
    for p, (cb, m2) in enumerate(zip(cbs, (m2_up, m2_dn, m2_lh, m2_rh))):
        m2[...] = -2.0 * cb
        cn[p, :] = jnp.sum(cb * cb, axis=1)


def _main_body(x, xr, xs, wx, wr, ws, eb,
               m2_up, m2_dn, m2_lh, m2_rh, cn,
               t_up, t_dn, t_lh, t_rh,
               xout, xrout, xshift, loss, *, tile, n_rows):
    xt = x[...]
    xrt = xr[...]
    xst = xs[...]
    z_all = (jax.lax.dot(xt, wx[...], precision=_HIGH)
             + jax.lax.dot(xrt, wr[...], precision=_HIGH)
             + jax.lax.dot(xst, ws[...], precision=_HIGH)
             + eb[...])

    cn_all = cn[...]
    dmin_total = jnp.sum(z_all * z_all)
    iota = jax.lax.broadcasted_iota(jnp.int32, (tile, _K), 1).astype(
        jnp.float32)
    dec = []
    for p, (m2cb, tbl) in enumerate(
            ((m2_up, t_up), (m2_dn, t_dn), (m2_lh, t_lh), (m2_rh, t_rh))):
        z = z_all[:, p * _D:(p + 1) * _D]
        e = jax.lax.dot_general(z, m2cb[...], (((1,), (1,)), ((), ())),
                                precision=_HIGH) + cn_all[p, :][None, :]
        m = jnp.min(e, axis=1)
        dmin_total += jnp.sum(m)
        cand = jnp.where(e == m[:, None], iota, jnp.float32(_K))
        idx = jnp.min(cand, axis=1)
        oh = (iota == idx[:, None]).astype(jnp.float32)
        dec.append(jax.lax.dot(oh, tbl[...], precision=_HIGH))
    d_up, d_dn, d_lh, d_rh = dec

    xout[...] = jnp.concatenate(
        [d_up[:, :36] + d_dn[:, :36], d_up[:, 36:75], xt[:, 75:165]], axis=1)
    xrout[...] = jnp.concatenate(
        [d_up[:, 75:147] + d_dn[:, 36:108], d_up[:, 147:225],
         d_lh, d_rh], axis=1)
    xshift[...] = d_dn[:, 108:111]

    @pl.when(pl.program_id(0) == 0)
    def _():
        loss[...] = jnp.zeros_like(loss)
    loss[...] += (1.25 / (n_rows * _D)) * dmin_total.reshape(1, 1)


def kernel(x, xrot, xshift, up_encW, up_encb, up_codebook, up_decW, up_decb,
           down_encW, down_encb, down_codebook, down_decW, down_decb,
           lhand_encW, lhand_encb, lhand_codebook, lhand_decW, lhand_decb,
           rhand_encW, rhand_encb, rhand_codebook, rhand_decW, rhand_decb):
    b, t, c = x.shape
    crot = xrot.shape[-1]
    n = b * t
    x2 = x.reshape(n, c)
    xr2 = xrot.reshape(n, crot)
    xs2 = xshift.reshape(n, 3)

    parts = {
        'up': (_UP, up_encW, up_encb),
        'down': (_DOWN, down_encW, down_encb),
        'lhand': (_LH, lhand_encW, lhand_encb),
        'rhand': (_RH, rhand_encW, rhand_encb),
    }

    wx = jnp.zeros((c, 4 * _D), jnp.float32)
    wr = jnp.zeros((crot, 4 * _D), jnp.float32)
    ws = jnp.zeros((3, 4 * _D), jnp.float32)
    eb = jnp.zeros((1, 4 * _D), jnp.float32)
    for p, (name, (joints, encW, encb)) in enumerate(parts.items()):
        nj = len(joints)
        cp = nj * _JC
        cr = nj * _RC
        for k, j in enumerate(joints):
            wx = wx.at[j * _JC:(j + 1) * _JC, p * _D:(p + 1) * _D].set(
                encW[k * _JC:(k + 1) * _JC])
            wr = wr.at[j * _RC:(j + 1) * _RC, p * _D:(p + 1) * _D].set(
                encW[cp + k * _RC:cp + (k + 1) * _RC])
        if name == 'down':
            ws = ws.at[:, p * _D:(p + 1) * _D].set(encW[cp + cr:cp + cr + 3])
        eb = eb.at[0, p * _D:(p + 1) * _D].set(encb)

    up_cp = len(_UP) * _JC
    dn_cp = len(_DOWN) * _JC
    up_w = jnp.concatenate(
        [_scatter_cols(up_decW[:, :up_cp], _UP, _JC, 75),
         _scatter_cols(up_decW[:, up_cp:up_cp + len(_UP) * _RC], _UP, _RC,
                       150)], axis=1)
    up_b = jnp.concatenate(
        [_scatter_cols(up_decb[None, :up_cp], _UP, _JC, 75),
         _scatter_cols(up_decb[None, up_cp:up_cp + len(_UP) * _RC], _UP, _RC,
                       150)], axis=1)
    dn_w = jnp.concatenate(
        [_scatter_cols(down_decW[:, :dn_cp], _DOWN, _JC, 36),
         _scatter_cols(down_decW[:, dn_cp:dn_cp + len(_DOWN) * _RC], _DOWN,
                       _RC, 72),
         down_decW[:, dn_cp + len(_DOWN) * _RC:]], axis=1)
    dn_b = jnp.concatenate(
        [_scatter_cols(down_decb[None, :dn_cp], _DOWN, _JC, 36),
         _scatter_cols(down_decb[None, dn_cp:dn_cp + len(_DOWN) * _RC],
                       _DOWN, _RC, 72),
         down_decb[None, dn_cp + len(_DOWN) * _RC:]], axis=1)
    lh_cp = len(_LH) * _JC
    lh_w = lhand_decW[:, lh_cp:lh_cp + len(_LH) * _RC]
    lh_b = lhand_decb[None, lh_cp:lh_cp + len(_LH) * _RC]
    rh_cp = len(_RH) * _JC
    rh_w = rhand_decW[:, rh_cp:rh_cp + len(_RH) * _RC]
    rh_b = rhand_decb[None, rh_cp:rh_cp + len(_RH) * _RC]

    tbl_shapes = [
        jax.ShapeDtypeStruct((_K, 225), jnp.float32),
        jax.ShapeDtypeStruct((_K, 111), jnp.float32),
        jax.ShapeDtypeStruct((_K, 90), jnp.float32),
        jax.ShapeDtypeStruct((_K, 90), jnp.float32),
        jax.ShapeDtypeStruct((_K, _D), jnp.float32),
        jax.ShapeDtypeStruct((_K, _D), jnp.float32),
        jax.ShapeDtypeStruct((_K, _D), jnp.float32),
        jax.ShapeDtypeStruct((_K, _D), jnp.float32),
        jax.ShapeDtypeStruct((4, _K), jnp.float32),
    ]
    prep = pl.pallas_call(
        _prep_body,
        out_shape=tbl_shapes,
    )(up_codebook, down_codebook, lhand_codebook, rhand_codebook,
      up_w, dn_w, lh_w, rh_w, up_b, dn_b, lh_b, rh_b)
    t_up, t_dn, t_lh, t_rh, m2_up, m2_dn, m2_lh, m2_rh, cn = prep

    tile = 512
    grid = n // tile
    row_spec = lambda w: pl.BlockSpec((tile, w), lambda i: (i, 0))
    full = lambda a: pl.BlockSpec(a.shape, lambda i: (0,) * a.ndim)

    out_shapes = [
        jax.ShapeDtypeStruct((n, c), jnp.float32),
        jax.ShapeDtypeStruct((n, crot), jnp.float32),
        jax.ShapeDtypeStruct((n, 3), jnp.float32),
        jax.ShapeDtypeStruct((1, 1), jnp.float32),
    ]
    outs = pl.pallas_call(
        functools.partial(_main_body, tile=tile, n_rows=n),
        grid=(grid,),
        in_specs=[row_spec(c), row_spec(crot), row_spec(3),
                  full(wx), full(wr), full(ws), full(eb),
                  full(m2_up), full(m2_dn), full(m2_lh), full(m2_rh),
                  full(cn),
                  full(t_up), full(t_dn), full(t_lh), full(t_rh)],
        out_specs=[row_spec(c), row_spec(crot), row_spec(3),
                   pl.BlockSpec((1, 1), lambda i: (0, 0))],
        out_shape=out_shapes,
    )(x2, xr2, xs2, wx, wr, ws, eb,
      m2_up, m2_dn, m2_lh, m2_rh, cn, t_up, t_dn, t_lh, t_rh)
    xout2, xrout2, xshift2, loss = outs

    return (xout2.reshape(b, t, c), xrout2.reshape(b, t, crot),
            xshift2.reshape(b, t, 3), loss[0, 0])

# --- scband reference (transcript-rebuilt; emitter-appended) ---
"""Pipeline reference for scband-sep-vqvaexm-33724083208560 (READ-ONLY COPY).

The authoritative reference and input builder live on the scoring server;
editing this copy changes nothing except your own understanding.
"""

import jax, jax.numpy as jnp
import numpy as np

smpl_down = [0, 1, 2, 4, 5, 7, 8, 10, 11]
smpl_lhand = list(range(25, 40))
smpl_rhand = list(range(40, 55))
smpl_up = [3, 6, 9, 12, 13, 14, 15, 16, 17, 18, 19, 20, 21, 22, 23, 24]

JC = 3
RC = 6
K = 512
D = 64
B = 16
T = 2048

PART_DIMS = {
    'up': (len(smpl_up) * JC, len(smpl_up) * RC, 0),
    'down': (len(smpl_down) * JC, len(smpl_down) * RC, 3),
    'lhand': (len(smpl_lhand) * JC, len(smpl_lhand) * RC, 0),
    'rhand': (len(smpl_rhand) * JC, len(smpl_rhand) * RC, 0),
}

def setup_inputs(seed: int = 0):
    key = jax.random.key(seed)
    ks = jax.random.split(key, 20)
    inp = {}
    inp['x'] = jax.random.normal(ks[0], (B, T, 55 * JC), dtype=jnp.float32)
    inp['xrot'] = jax.random.normal(ks[1], (B, T, 55 * RC), dtype=jnp.float32)
    inp['xshift'] = jax.random.normal(ks[2], (B, T, 3), dtype=jnp.float32)
    i = 3
    for name, (cp, cr, cs) in PART_DIMS.items():
        cin = cp + cr + cs
        inp[name + '_encW'] = jax.random.normal(ks[i], (cin, D), dtype=jnp.float32) / np.sqrt(cin); i += 1
        inp[name + '_encb'] = jnp.zeros((D,), dtype=jnp.float32)
        inp[name + '_codebook'] = jax.random.normal(ks[i], (K, D), dtype=jnp.float32) * 0.1; i += 1
        inp[name + '_decW'] = jax.random.normal(ks[i], (D, cin), dtype=jnp.float32) / np.sqrt(D); i += 1
        inp[name + '_decb'] = jnp.zeros((cin,), dtype=jnp.float32)
    return inp

def _vq(z, codebook):
    d = jnp.sum(z * z, -1, keepdims=True) - 2.0 * (z @ codebook.T) + jnp.sum(codebook * codebook, -1)[None, :]
    idx = jnp.argmin(d, -1)
    zq = jnp.take(codebook, idx, axis=0)
    commit = jnp.mean((z - jax.lax.stop_gradient(zq)) ** 2) + 0.25 * jnp.mean((jax.lax.stop_gradient(z) - zq) ** 2)
    zq_st = z + jax.lax.stop_gradient(zq - z)
    return zq_st, commit

def _vqvae(xp, xr, xs, encW, encb, codebook, decW, decb):
    b, t, cp = xp.shape
    cr = xr.shape[-1]
    parts = [xp, xr]
    if xs is not None:
        parts.append(xs)
    h = jnp.concatenate(parts, -1).reshape(b * t, -1)
    z = h @ encW + encb
    zq, commit = _vq(z, codebook)
    out = (zq @ decW + decb).reshape(b, t, -1)
    op = out[..., :cp]
    orr = out[..., cp:cp + cr]
    if xs is not None:
        return op, orr, out[..., cp + cr:], commit
    return op, orr, commit

def reference(x, xrot, xshift,
              up_encW, up_encb, up_codebook, up_decW, up_decb,
              down_encW, down_encb, down_codebook, down_decW, down_decb,
              lhand_encW, lhand_encb, lhand_codebook, lhand_decW, lhand_decb,
              rhand_encW, rhand_encb, rhand_codebook, rhand_decW, rhand_decb):
    b, t, c = x.shape
    crot = xrot.shape[-1]
    x4 = x.reshape(b, t, c // JC, JC)
    xr4 = xrot.reshape(b, t, crot // RC, RC)
    up_idx = jnp.array(smpl_up); down_idx = jnp.array(smpl_down)
    lh_idx = jnp.array(smpl_lhand); rh_idx = jnp.array(smpl_rhand)
    xup = x4[:, :, up_idx, :].reshape(b, t, -1)
    xdown = x4[:, :, down_idx, :].reshape(b, t, -1)
    xlhand = x4[:, :, lh_idx, :].reshape(b, t, -1)
    xrhand = x4[:, :, rh_idx, :].reshape(b, t, -1)
    xuprot = xr4[:, :, up_idx, :].reshape(b, t, -1)
    xdownrot = xr4[:, :, down_idx, :].reshape(b, t, -1)
    xlhandrot = xr4[:, :, lh_idx, :].reshape(b, t, -1)
    xrhandrot = xr4[:, :, rh_idx, :].reshape(b, t, -1)
    xo_up, xo_up_rot, loss_up = _vqvae(xup, xuprot, None, up_encW, up_encb, up_codebook, up_decW, up_decb)
    xo_lh, xo_lh_rot, loss_lh = _vqvae(xlhand, xlhandrot, None, lhand_encW, lhand_encb, lhand_codebook, lhand_decW, lhand_decb)
    xo_rh, xo_rh_rot, loss_rh = _vqvae(xrhand, xrhandrot, None, rhand_encW, rhand_encb, rhand_codebook, rhand_decW, rhand_decb)
    xo_dn, xo_dn_rot, x_shift, loss_dn = _vqvae(xdown, xdownrot, xshift, down_encW, down_encb, down_codebook, down_decW, down_decb)
    nj = c // JC
    xout = jnp.zeros((b, t, nj, JC), dtype=jnp.float32)
    xout = xout.at[:, :, up_idx].set(xo_up.reshape(b, t, -1, JC))
    xout = xout.at[:, :, down_idx].set(xo_dn.reshape(b, t, -1, JC))
    xout = xout.at[:, :, lh_idx].set(xlhand.reshape(b, t, -1, JC))
    xout = xout.at[:, :, rh_idx].set(xrhand.reshape(b, t, -1, JC))
    njr = crot // RC
    xrout = jnp.zeros((b, t, njr, RC), dtype=jnp.float32)
    xrout = xrout.at[:, :, up_idx].set(xo_up_rot.reshape(b, t, -1, RC))
    xrout = xrout.at[:, :, down_idx].set(xo_dn_rot.reshape(b, t, -1, RC))
    xrout = xrout.at[:, :, lh_idx].set(xo_lh_rot.reshape(b, t, -1, RC))
    xrout = xrout.at[:, :, rh_idx].set(xo_rh_rot.reshape(b, t, -1, RC))
    loss = loss_up + loss_dn + loss_lh + loss_rh
    return (xout.reshape(b, t, -1), xrout.reshape(b, t, -1), x_shift, loss)

if __name__ == "__main__":
    import jax
    _d = setup_inputs()
    print(jax.jit(kernel)(*tuple(_d.values())))

</pallas_src>

<mosaic_0001>
module attributes {stable_mosaic.version = 14 : i64} {
  func.func @_prep_body(%arg0: memref<512x64xf32, #tpu.memory_space<vmem>>, %arg1: memref<512x64xf32, #tpu.memory_space<vmem>>, %arg2: memref<512x64xf32, #tpu.memory_space<vmem>>, %arg3: memref<512x64xf32, #tpu.memory_space<vmem>>, %arg4: memref<64x225xf32, #tpu.memory_space<vmem>>, %arg5: memref<64x111xf32, #tpu.memory_space<vmem>>, %arg6: memref<64x90xf32, #tpu.memory_space<vmem>>, %arg7: memref<64x90xf32, #tpu.memory_space<vmem>>, %arg8: memref<1x225xf32, #tpu.memory_space<vmem>>, %arg9: memref<1x111xf32, #tpu.memory_space<vmem>>, %arg10: memref<1x90xf32, #tpu.memory_space<vmem>>, %arg11: memref<1x90xf32, #tpu.memory_space<vmem>>, %arg12: memref<512x225xf32, #tpu.memory_space<vmem>>, %arg13: memref<512x111xf32, #tpu.memory_space<vmem>>, %arg14: memref<512x90xf32, #tpu.memory_space<vmem>>, %arg15: memref<512x90xf32, #tpu.memory_space<vmem>>, %arg16: memref<512x64xf32, #tpu.memory_space<vmem>>, %arg17: memref<512x64xf32, #tpu.memory_space<vmem>>, %arg18: memref<512x64xf32, #tpu.memory_space<vmem>>, %arg19: memref<512x64xf32, #tpu.memory_space<vmem>>, %arg20: memref<4x512xf32, #tpu.memory_space<vmem>>) attributes {dimension_semantics = [], scalar_prefetch = 0 : i64, scratch_operands = 0 : i64, tpu.core_type = #tpu.core_type<tc>} {
    %get3A = arith.constant 0 : index
    %get3A_0 = arith.constant 0 : index
    %get3A_1 = vector.load %arg0[%get3A, %get3A_0] : memref<512x64xf32, #tpu.memory_space<vmem>>, vector<512x64xf32>
    %get3A_2 = arith.constant 0 : index
    %get3A_3 = arith.constant 0 : index
    %get3A_4 = vector.load %arg1[%get3A_2, %get3A_3] : memref<512x64xf32, #tpu.memory_space<vmem>>, vector<512x64xf32>
    %get3A_5 = arith.constant 0 : index
    %get3A_6 = arith.constant 0 : index
    %get3A_7 = vector.load %arg2[%get3A_5, %get3A_6] : memref<512x64xf32, #tpu.memory_space<vmem>>, vector<512x64xf32>
    %get3A_8 = arith.constant 0 : index
    %get3A_9 = arith.constant 0 : index
    %get3A_10 = vector.load %arg3[%get3A_8, %get3A_9] : memref<512x64xf32, #tpu.memory_space<vmem>>, vector<512x64xf32>
    %get3A_11 = arith.constant 0 : index
    %get3A_12 = arith.constant 0 : index
    %get3A_13 = vector.load %arg4[%get3A_11, %get3A_12] : memref<64x225xf32, #tpu.memory_space<vmem>>, vector<64x225xf32>
    %dot_general3A = arith.constant dense<0.000000e+00> : vector<512x225xf32>
    %dot_general3A_14 = tpu.matmul %get3A_1, %get3A_13, %dot_general3A {dimension_numbers = #tpu.dot_dimension_numbers<[1], [0], [0], [1], [0, 0, 1, 1], [], []>, transpose_lhs_hint = false} : vector<512x64xf32>, vector<64x225xf32>, vector<512x225xf32> -> vector<512x225xf32>
    %get3A_15 = arith.constant 0 : index
    %get3A_16 = arith.constant 0 : index
    %get3A_17 = vector.load %arg8[%get3A_15, %get3A_16] : memref<1x225xf32, #tpu.memory_space<vmem>>, vector<1x225xf32>
    %add3A = vector.broadcast %get3A_17 : vector<1x225xf32> to vector<512x225xf32>
    %add3A_18 = arith.addf %dot_general3A_14, %add3A : vector<512x225xf32>
    %swap3A = arith.constant 0 : index
    %swap3A_19 = arith.constant 0 : index
    %swap3A_20 = vector.load %arg12[%swap3A, %swap3A_19] : memref<512x225xf32, #tpu.memory_space<vmem>>, vector<512x225xf32>
    tpu.vector_store %arg12[%swap3A, %swap3A_19], %add3A_18 {strides = array<i32>} : memref<512x225xf32, #tpu.memory_space<vmem>>, vector<512x225xf32>,
    %get3A_21 = arith.constant 0 : index
    %get3A_22 = arith.constant 0 : index
    %get3A_23 = vector.load %arg5[%get3A_21, %get3A_22] : memref<64x111xf32, #tpu.memory_space<vmem>>, vector<64x111xf32>
    %dot_general3A_24 = arith.constant dense<0.000000e+00> : vector<512x111xf32>
    %dot_general3A_25 = tpu.matmul %get3A_4, %get3A_23, %dot_general3A_24 {dimension_numbers = #tpu.dot_dimension_numbers<[1], [0], [0], [1], [0, 0, 1, 1], [], []>, transpose_lhs_hint = false} : vector<512x64xf32>, vector<64x111xf32>, vector<512x111xf32> -> vector<512x111xf32>
    %get3A_26 = arith.constant 0 : index
    %get3A_27 = arith.constant 0 : index
    %get3A_28 = vector.load %arg9[%get3A_26, %get3A_27] : memref<1x111xf32, #tpu.memory_space<vmem>>, vector<1x111xf32>
    %add3A_29 = vector.broadcast %get3A_28 : vector<1x111xf32> to vector<512x111xf32>
    %add3A_30 = arith.addf %dot_general3A_25, %add3A_29 : vector<512x111xf32>
    %swap3A_31 = arith.constant 0 : index
    %swap3A_32 = arith.constant 0 : index
    %swap3A_33 = vector.load %arg13[%swap3A_31, %swap3A_32] : memref<512x111xf32, #tpu.memory_space<vmem>>, vector<512x111xf32>
    tpu.vector_store %arg13[%swap3A_31, %swap3A_32], %add3A_30 {strides = array<i32>} : memref<512x111xf32, #tpu.memory_space<vmem>>, vector<512x111xf32>,
    %get3A_34 = arith.constant 0 : index
    %get3A_35 = arith.constant 0 : index
    %get3A_36 = vector.load %arg6[%get3A_34, %get3A_35] : memref<64x90xf32, #tpu.memory_space<vmem>>, vector<64x90xf32>
    %dot_general3A_37 = arith.constant dense<0.000000e+00> : vector<512x90xf32>
    %dot_general3A_38 = tpu.matmul %get3A_7, %get3A_36, %dot_general3A_37 {dimension_numbers = #tpu.dot_dimension_numbers<[1], [0], [0], [1], [0, 0, 1, 1], [], []>, transpose_lhs_hint = false} : vector<512x64xf32>, vector<64x90xf32>, vector<512x90xf32> -> vector<512x90xf32>
    %get3A_39 = arith.constant 0 : index
    %get3A_40 = arith.constant 0 : index
    %get3A_41 = vector.load %arg10[%get3A_39, %get3A_40] : memref<1x90xf32, #tpu.memory_space<vmem>>, vector<1x90xf32>
    %add3A_42 = vector.broadcast %get3A_41 : vector<1x90xf32> to vector<512x90xf32>
    %add3A_43 = arith.addf %dot_general3A_38, %add3A_42 : vector<512x90xf32>
    %swap3A_44 = arith.constant 0 : index
    %swap3A_45 = arith.constant 0 : index
    %swap3A_46 = vector.load %arg14[%swap3A_44, %swap3A_45] : memref<512x90xf32, #tpu.memory_space<vmem>>, vector<512x90xf32>
    tpu.vector_store %arg14[%swap3A_44, %swap3A_45], %add3A_43 {strides = array<i32>} : memref<512x90xf32, #tpu.memory_space<vmem>>, vector<512x90xf32>,
    %get3A_47 = arith.constant 0 : index
    %get3A_48 = arith.constant 0 : index
    %get3A_49 = vector.load %arg7[%get3A_47, %get3A_48] : memref<64x90xf32, #tpu.memory_space<vmem>>, vector<64x90xf32>
    %dot_general3A_50 = arith.constant dense<0.000000e+00> : vector<512x90xf32>
    %dot_general3A_51 = tpu.matmul %get3A_10, %get3A_49, %dot_general3A_50 {dimension_numbers = #tpu.dot_dimension_numbers<[1], [0], [0], [1], [0, 0, 1, 1], [], []>, transpose_lhs_hint = false} : vector<512x64xf32>, vector<64x90xf32>, vector<512x90xf32> -> vector<512x90xf32>
    %get3A_52 = arith.constant 0 : index
    %get3A_53 = arith.constant 0 : index
    %get3A_54 = vector.load %arg11[%get3A_52, %get3A_53] : memref<1x90xf32, #tpu.memory_space<vmem>>, vector<1x90xf32>
    %add3A_55 = vector.broadcast %get3A_54 : vector<1x90xf32> to vector<512x90xf32>
    %add3A_56 = arith.addf %dot_general3A_51, %add3A_55 : vector<512x90xf32>
    %swap3A_57 = arith.constant 0 : index
    %swap3A_58 = arith.constant 0 : index
    %swap3A_59 = vector.load %arg15[%swap3A_57, %swap3A_58] : memref<512x90xf32, #tpu.memory_space<vmem>>, vector<512x90xf32>
    tpu.vector_store %arg15[%swap3A_57, %swap3A_58], %add3A_56 {strides = array<i32>} : memref<512x90xf32, #tpu.memory_space<vmem>>, vector<512x90xf32>,
    %mul3A = arith.constant -2.000000e+00 : f32
    %mul3A_60 = vector.broadcast %mul3A : f32 to vector<512x64xf32>
    %mul3A_61 = arith.mulf %mul3A_60, %get3A_1 : vector<512x64xf32>
    %swap3A_62 = arith.constant 0 : index
    %swap3A_63 = arith.constant 0 : index
    %swap3A_64 = vector.load %arg16[%swap3A_62, %swap3A_63] : memref<512x64xf32, #tpu.memory_space<vmem>>, vector<512x64xf32>
    tpu.vector_store %arg16[%swap3A_62, %swap3A_63], %mul3A_61 {strides = array<i32>} : memref<512x64xf32, #tpu.memory_space<vmem>>, vector<512x64xf32>,
    %mul3A_65 = arith.mulf %get3A_1, %get3A_1 : vector<512x64xf32>
    %reduce_sum3A = arith.constant dense<0.000000e+00> : vector<512xf32>
    %reduce_sum3A_66 = vector.multi_reduction <add>, %mul3A_65, %reduce_sum3A [1] : vector<512x64xf32> to vector<512xf32>
    %swap3A_67 = arith.constant 0 : index
    %swap3A_68 = arith.constant 0 : index
    %swap3A_69 = vector.load %arg20[%swap3A_67, %swap3A_68] : memref<4x512xf32, #tpu.memory_space<vmem>>, vector<1x512xf32>
    %swap3A_70 = vector.shape_cast %swap3A_69 : vector<1x512xf32> to vector<512xf32>
    %swap3A_71 = vector.shape_cast %reduce_sum3A_66 : vector<512xf32> to vector<1x512xf32>
    tpu.vector_store %arg20[%swap3A_67, %swap3A_68], %swap3A_71 {strides = array<i32>} : memref<4x512xf32, #tpu.memory_space<vmem>>, vector<1x512xf32>,
    %mul3A_72 = arith.constant -2.000000e+00 : f32
    %mul3A_73 = vector.broadcast %mul3A_72 : f32 to vector<512x64xf32>
    %mul3A_74 = arith.mulf %mul3A_73, %get3A_4 : vector<512x64xf32>
    %swap3A_75 = arith.constant 0 : index
    %swap3A_76 = arith.constant 0 : index
    %swap3A_77 = vector.load %arg17[%swap3A_75, %swap3A_76] : memref<512x64xf32, #tpu.memory_space<vmem>>, vector<512x64xf32>
    tpu.vector_store %arg17[%swap3A_75, %swap3A_76], %mul3A_74 {strides = array<i32>} : memref<512x64xf32, #tpu.memory_space<vmem>>, vector<512x64xf32>,
    %mul3A_78 = arith.mulf %get3A_4, %get3A_4 : vector<512x64xf32>
    %reduce_sum3A_79 = arith.constant dense<0.000000e+00> : vector<512xf32>
    %reduce_sum3A_80 = vector.multi_reduction <add>, %mul3A_78, %reduce_sum3A_79 [1] : vector<512x64xf32> to vector<512xf32>
    %swap3A_81 = arith.constant 1 : index
    %swap3A_82 = arith.constant 0 : index
    %swap3A_83 = vector.load %arg20[%swap3A_81, %swap3A_82] : memref<4x512xf32, #tpu.memory_space<vmem>>, vector<1x512xf32>
    %swap3A_84 = vector.shape_cast %swap3A_83 : vector<1x512xf32> to vector<512xf32>
    %swap3A_85 = vector.shape_cast %reduce_sum3A_80 : vector<512xf32> to vector<1x512xf32>
    tpu.vector_store %arg20[%swap3A_81, %swap3A_82], %swap3A_85 {strides = array<i32>} : memref<4x512xf32, #tpu.memory_space<vmem>>, vector<1x512xf32>,
    %mul3A_86 = arith.constant -2.000000e+00 : f32
    %mul3A_87 = vector.broadcast %mul3A_86 : f32 to vector<512x64xf32>
    %mul3A_88 = arith.mulf %mul3A_87, %get3A_7 : vector<512x64xf32>
    %swap3A_89 = arith.constant 0 : index
    %swap3A_90 = arith.constant 0 : index
    %swap3A_91 = vector.load %arg18[%swap3A_89, %swap3A_90] : memref<512x64xf32, #tpu.memory_space<vmem>>, vector<512x64xf32>
    tpu.vector_store %arg18[%swap3A_89, %swap3A_90], %mul3A_88 {strides = array<i32>} : memref<512x64xf32, #tpu.memory_space<vmem>>, vector<512x64xf32>,
    %mul3A_92 = arith.mulf %get3A_7, %get3A_7 : vector<512x64xf32>
    %reduce_sum3A_93 = arith.constant dense<0.000000e+00> : vector<512xf32>
    %reduce_sum3A_94 = vector.multi_reduction <add>, %mul3A_92, %reduce_sum3A_93 [1] : vector<512x64xf32> to vector<512xf32>
    %swap3A_95 = arith.constant 2 : index
    %swap3A_96 = arith.constant 0 : index
    %swap3A_97 = vector.load %arg20[%swap3A_95, %swap3A_96] : memref<4x512xf32, #tpu.memory_space<vmem>>, vector<1x512xf32>
    %swap3A_98 = vector.shape_cast %swap3A_97 : vector<1x512xf32> to vector<512xf32>
    %swap3A_99 = vector.shape_cast %reduce_sum3A_94 : vector<512xf32> to vector<1x512xf32>
    tpu.vector_store %arg20[%swap3A_95, %swap3A_96], %swap3A_99 {strides = array<i32>} : memref<4x512xf32, #tpu.memory_space<vmem>>, vector<1x512xf32>,
    %mul3A_100 = arith.constant -2.000000e+00 : f32
    %mul3A_101 = vector.broadcast %mul3A_100 : f32 to vector<512x64xf32>
    %mul3A_102 = arith.mulf %mul3A_101, %get3A_10 : vector<512x64xf32>
    %swap3A_103 = arith.constant 0 : index
    %swap3A_104 = arith.constant 0 : index
    %swap3A_105 = vector.load %arg19[%swap3A_103, %swap3A_104] : memref<512x64xf32, #tpu.memory_space<vmem>>, vector<512x64xf32>
    tpu.vector_store %arg19[%swap3A_103, %swap3A_104], %mul3A_102 {strides = array<i32>} : memref<512x64xf32, #tpu.memory_space<vmem>>, vector<512x64xf32>,
    %mul3A_106 = arith.mulf %get3A_10, %get3A_10 : vector<512x64xf32>
    %reduce_sum3A_107 = arith.constant dense<0.000000e+00> : vector<512xf32>
    %reduce_sum3A_108 = vector.multi_reduction <add>, %mul3A_106, %reduce_sum3A_107 [1] : vector<512x64xf32> to vector<512xf32>
    %swap3A_109 = arith.constant 3 : index
    %swap3A_110 = arith.constant 0 : index
    %swap3A_111 = vector.load %arg20[%swap3A_109, %swap3A_110] : memref<4x512xf32, #tpu.memory_space<vmem>>, vector<1x512xf32>
    %swap3A_112 = vector.shape_cast %swap3A_111 : vector<1x512xf32> to vector<512xf32>
    %swap3A_113 = vector.shape_cast %reduce_sum3A_108 : vector<512xf32> to vector<1x512xf32>
    tpu.vector_store %arg20[%swap3A_109, %swap3A_110], %swap3A_113 {strides = array<i32>} : memref<4x512xf32, #tpu.memory_space<vmem>>, vector<1x512xf32>,
    return
  }
}

module attributes {stable_mosaic.version = 14 : i64} {
  func.func @_main_body(%arg0: i32, %arg1: memref<512x165xf32, #tpu.memory_space<vmem>>, %arg2: memref<512x330xf32, #tpu.memory_space<vmem>>, %arg3: memref<512x3xf32, #tpu.memory_space<vmem>>, %arg4: memref<165x256xf32, #tpu.memory_space<vmem>>, %arg5: memref<330x256xf32, #tpu.memory_space<vmem>>, %arg6: memref<3x256xf32, #tpu.memory_space<vmem>>, %arg7: memref<1x256xf32, #tpu.memory_space<vmem>>, %arg8: memref<512x64xf32, #tpu.memory_space<vmem>>, %arg9: memref<512x64xf32, #tpu.memory_space<vmem>>, %arg10: memref<512x64xf32, #tpu.memory_space<vmem>>, %arg11: memref<512x64xf32, #tpu.memory_space<vmem>>, %arg12: memref<4x512xf32, #tpu.memory_space<vmem>>, %arg13: memref<512x225xf32, #tpu.memory_space<vmem>>, %arg14: memref<512x111xf32, #tpu.memory_space<vmem>>, %arg15: memref<512x90xf32, #tpu.memory_space<vmem>>, %arg16: memref<512x90xf32, #tpu.memory_space<vmem>>, %arg17: memref<512x165xf32, #tpu.memory_space<vmem>>, %arg18: memref<512x330xf32, #tpu.memory_space<vmem>>, %arg19: memref<512x3xf32, #tpu.memory_space<vmem>>, %arg20: memref<1x1xf32, #tpu.memory_space<vmem>>) attributes {dimension_semantics = [#tpu.dimension_semantics<arbitrary>], iteration_bounds = array<i64: 64>, scalar_prefetch = 0 : i64, scratch_operands = 0 : i64, tpu.core_type = #tpu.core_type<tc>, window_params = [{transform_indices = @transform_0, window_bounds = array<i64: 512, 165>}, {transform_indices = @transform_1, window_bounds = array<i64: 512, 330>}, {transform_indices = @transform_2, window_bounds = array<i64: 512, 3>}, {pipeline_mode = #tpu.pipeline_mode<synchronous>, transform_indices = @transform_3, window_bounds = array<i64: 165, 256>}, {pipeline_mode = #tpu.pipeline_mode<synchronous>, transform_indices = @transform_4, window_bounds = array<i64: 330, 256>}, {pipeline_mode = #tpu.pipeline_mode<synchronous>, transform_indices = @transform_5, window_bounds = array<i64: 3, 256>}, {pipeline_mode = #tpu.pipeline_mode<synchronous>, transform_indices = @transform_6, window_bounds = array<i64: 1, 256>}, {pipeline_mode = #tpu.pipeline_mode<synchronous>, transform_indices = @transform_7, window_bounds = array<i64: 512, 64>}, {pipeline_mode = #tpu.pipeline_mode<synchronous>, transform_indices = @transform_8, window_bounds = array<i64: 512, 64>}, {pipeline_mode = #tpu.pipeline_mode<synchronous>, transform_indices = @transform_9, window_bounds = array<i64: 512, 64>}, {pipeline_mode = #tpu.pipeline_mode<synchronous>, transform_indices = @transform_10, window_bounds = array<i64: 512, 64>}, {pipeline_mode = #tpu.pipeline_mode<synchronous>, transform_indices = @transform_11, window_bounds = array<i64: 4, 512>}, {pipeline_mode = #tpu.pipeline_mode<synchronous>, transform_indices = @transform_12, window_bounds = array<i64: 512, 225>}, {pipeline_mode = #tpu.pipeline_mode<synchronous>, transform_indices = @transform_13, window_bounds = array<i64: 512, 111>}, {pipeline_mode = #tpu.pipeline_mode<synchronous>, transform_indices = @transform_14, window_bounds = array<i64: 512, 90>}, {pipeline_mode = #tpu.pipeline_mode<synchronous>, transform_indices = @transform_15, window_bounds = array<i64: 512, 90>}, {transform_indices = @transform_16, window_bounds = array<i64: 512, 165>}, {transform_indices = @transform_17, window_bounds = array<i64: 512, 330>}, {transform_indices = @transform_18, window_bounds = array<i64: 512, 3>}, {pipeline_mode = #tpu.pipeline_mode<synchronous>, transform_indices = @transform_19, window_bounds = array<i64: 1, 1>}]} {
    %get3A = arith.constant 0 : index
    %get3A_0 = arith.constant 0 : index
    %get3A_1 = vector.load %arg1[%get3A, %get3A_0] : memref<512x165xf32, #tpu.memory_space<vmem>>, vector<512x165xf32>
    %get3A_2 = arith.constant 0 : index
    %get3A_3 = arith.constant 0 : index
    %get3A_4 = vector.load %arg2[%get3A_2, %get3A_3] : memref<512x330xf32, #tpu.memory_space<vmem>>, vector<512x330xf32>
    %get3A_5 = arith.constant 0 : index
    %get3A_6 = arith.constant 0 : index
    %get3A_7 = vector.load %arg3[%get3A_5, %get3A_6] : memref<512x3xf32, #tpu.memory_space<vmem>>, vector<512x3xf32>
    %get3A_8 = arith.constant 0 : index
    %get3A_9 = arith.constant 0 : index
    %get3A_10 = vector.load %arg4[%get3A_8, %get3A_9] : memref<165x256xf32, #tpu.memory_space<vmem>>, vector<165x256xf32>
    %dot_general3A = arith.constant dense<0.000000e+00> : vector<512x256xf32>
    %dot_general3A_11 = tpu.matmul %get3A_1, %get3A_10, %dot_general3A {dimension_numbers = #tpu.dot_dimension_numbers<[1], [0], [0], [1], [0, 0, 1, 1], [], []>, transpose_lhs_hint = false} : vector<512x165xf32>, vector<165x256xf32>, vector<512x256xf32> -> vector<512x256xf32>
    %get3A_12 = arith.constant 0 : index
    %get3A_13 = arith.constant 0 : index
    %get3A_14 = vector.load %arg5[%get3A_12, %get3A_13] : memref<330x256xf32, #tpu.memory_space<vmem>>, vector<330x256xf32>
    %dot_general3A_15 = arith.constant dense<0.000000e+00> : vector<512x256xf32>
    %dot_general3A_16 = tpu.matmul %get3A_4, %get3A_14, %dot_general3A_15 {dimension_numbers = #tpu.dot_dimension_numbers<[1], [0], [0], [1], [0, 0, 1, 1], [], []>, transpose_lhs_hint = false} : vector<512x330xf32>, vector<330x256xf32>, vector<512x256xf32> -> vector<512x256xf32>
    %add3A = arith.addf %dot_general3A_11, %dot_general3A_16 : vector<512x256xf32>
    %get3A_17 = arith.constant 0 : index
    %get3A_18 = arith.constant 0 : index
    %get3A_19 = vector.load %arg6[%get3A_17, %get3A_18] : memref<3x256xf32, #tpu.memory_space<vmem>>, vector<3x256xf32>
    %dot_general3A_20 = arith.constant dense<0.000000e+00> : vector<512x256xf32>
    %dot_general3A_21 = tpu.matmul %get3A_7, %get3A_19, %dot_general3A_20 {dimension_numbers = #tpu.dot_dimension_numbers<[1], [0], [0], [1], [0, 0, 1, 1], [], []>, transpose_lhs_hint = false} : vector<512x3xf32>, vector<3x256xf32>, vector<512x256xf32> -> vector<512x256xf32>
    %add3A_22 = arith.addf %add3A, %dot_general3A_21 : vector<512x256xf32>
    %get3A_23 = arith.constant 0 : index
    %get3A_24 = arith.constant 0 : index
    %get3A_25 = vector.load %arg7[%get3A_23, %get3A_24] : memref<1x256xf32, #tpu.memory_space<vmem>>, vector<1x256xf32>
    %add3A_26 = vector.broadcast %get3A_25 : vector<1x256xf32> to vector<512x256xf32>
    %add3A_27 = arith.addf %add3A_22, %add3A_26 : vector<512x256xf32>
    %get3A_28 = arith.constant 0 : index
    %get3A_29 = arith.constant 0 : index
    %get3A_30 = vector.load %arg12[%get3A_28, %get3A_29] : memref<4x512xf32, #tpu.memory_space<vmem>>, vector<4x512xf32>
    %mul3A = arith.mulf %add3A_27, %add3A_27 : vector<512x256xf32>
    %reduce_sum3A = vector.shape_cast %mul3A : vector<512x256xf32> to vector<1x512x256xf32>
    %reduce_sum3A_31 = arith.constant dense<0.000000e+00> : vector<1xf32>
    %reduce_sum3A_32 = vector.multi_reduction <add>, %reduce_sum3A, %reduce_sum3A_31 [1, 2] : vector<1x512x256xf32> to vector<1xf32>
    %reduce_sum3A_33 = vector.shape_cast %reduce_sum3A_32 : vector<1xf32> to vector<1x1x1xf32>
    %reduce_sum3A_34 = vector.extract %reduce_sum3A_33[0, 0, 0] : f32 from vector<1x1x1xf32>
    %iota3A = tpu.iota {dimensions = array<i32: 1>} : vector<512x512xi32>
    %convert_element_type3A = arith.sitofp %iota3A : vector<512x512xi32> to vector<512x512xf32>
    %slice3A = vector.extract_strided_slice %add3A_27 {offsets = [0, 0], sizes = [512, 64], strides = [1, 1]} : vector<512x256xf32> to vector<512x64xf32>
    %get3A_35 = arith.constant 0 : index
    %get3A_36 = arith.constant 0 : index
    %get3A_37 = vector.load %arg8[%get3A_35, %get3A_36] : memref<512x64xf32, #tpu.memory_space<vmem>>, vector<512x64xf32>
    %dot_general3A_38 = arith.constant dense<0.000000e+00> : vector<512x512xf32>
    %dot_general3A_39 = tpu.matmul %slice3A, %get3A_37, %dot_general3A_38 {dimension_numbers = #tpu.dot_dimension_numbers<[1], [1], [0], [0], [0, 0, 1, 0], [], []>, transpose_lhs_hint = false} : vector<512x64xf32>, vector<512x64xf32>, vector<512x512xf32> -> vector<512x512xf32>
    %slice3A_40 = vector.extract_strided_slice %get3A_30 {offsets = [0, 0], sizes = [1, 512], strides = [1, 1]} : vector<4x512xf32> to vector<1x512xf32>
    %squeeze3A = vector.shape_cast %slice3A_40 : vector<1x512xf32> to vector<512xf32>
    %broadcast_in_dim3A = vector.shape_cast %squeeze3A : vector<512xf32> to vector<1x512xf32>
    %add3A_41 = vector.broadcast %broadcast_in_dim3A : vector<1x512xf32> to vector<512x512xf32>
    %add3A_42 = arith.addf %dot_general3A_39, %add3A_41 : vector<512x512xf32>
    %reduce_min3A = arith.constant dense<0x7F800000> : vector<512xf32>
    %reduce_min3A_43 = vector.multi_reduction <minimumf>, %add3A_42, %reduce_min3A [1] : vector<512x512xf32> to vector<512xf32>
    %reduce_sum3A_44 = vector.shape_cast %reduce_min3A_43 : vector<512xf32> to vector<1x512xf32>
    %reduce_sum3A_45 = arith.constant dense<0.000000e+00> : vector<1xf32>
    %reduce_sum3A_46 = vector.multi_reduction <add>, %reduce_sum3A_44, %reduce_sum3A_45 [1] : vector<1x512xf32> to vector<1xf32>
    %reduce_sum3A_47 = vector.shape_cast %reduce_sum3A_46 : vector<1xf32> to vector<1x1xf32>
    %reduce_sum3A_48 = vector.extract %reduce_sum3A_47[0, 0] : f32 from vector<1x1xf32>
    %add3A_49 = arith.addf %reduce_sum3A_34, %reduce_sum3A_48 : f32
    %broadcast_in_dim3A_50 = vector.shape_cast %reduce_min3A_43 : vector<512xf32> to vector<512x1xf32>
    %eq3A = vector.broadcast %broadcast_in_dim3A_50 : vector<512x1xf32> to vector<512x512xf32>
    %eq3A_51 = arith.cmpf oeq, %add3A_42, %eq3A : vector<512x512xf32>
    %jit3A = arith.constant 5.120000e+02 : f32
    %broadcast_in_dim3A_52 = vector.broadcast %jit3A : f32 to vector<512x512xf32>
    %select_n3A = arith.select %eq3A_51, %convert_element_type3A, %broadcast_in_dim3A_52 : vector<512x512xi1>, vector<512x512xf32>
    %reduce_min3A_53 = arith.constant dense<0x7F800000> : vector<512xf32>
    %reduce_min3A_54 = vector.multi_reduction <minimumf>, %select_n3A, %reduce_min3A_53 [1] : vector<512x512xf32> to vector<512xf32>
    %broadcast_in_dim3A_55 = vector.shape_cast %reduce_min3A_54 : vector<512xf32> to vector<512x1xf32>
    %eq3A_56 = vector.broadcast %broadcast_in_dim3A_55 : vector<512x1xf32> to vector<512x512xf32>
    %eq3A_57 = arith.cmpf oeq, %convert_element_type3A, %eq3A_56 : vector<512x512xf32>
    %convert_element_type3A_58 = arith.extui %eq3A_57 : vector<512x512xi1> to vector<512x512xi32>
    %convert_element_type3A_59 = arith.sitofp %convert_element_type3A_58 : vector<512x512xi32> to vector<512x512xf32>
    %get3A_60 = arith.constant 0 : index
    %get3A_61 = arith.constant 0 : index
    %get3A_62 = vector.load %arg13[%get3A_60, %get3A_61] : memref<512x225xf32, #tpu.memory_space<vmem>>, vector<512x225xf32>
    %dot_general3A_63 = arith.constant dense<0.000000e+00> : vector<512x225xf32>
    %dot_general3A_64 = tpu.matmul %convert_element_type3A_59, %get3A_62, %dot_general3A_63 {dimension_numbers = #tpu.dot_dimension_numbers<[1], [0], [0], [1], [0, 0, 1, 1], [], []>, transpose_lhs_hint = false} : vector<512x512xf32>, vector<512x225xf32>, vector<512x225xf32> -> vector<512x225xf32>
    %slice3A_65 = vector.extract_strided_slice %add3A_27 {offsets = [0, 64], sizes = [512, 64], strides = [1, 1]} : vector<512x256xf32> to vector<512x64xf32>
    %get3A_66 = arith.constant 0 : index
    %get3A_67 = arith.constant 0 : index
    %get3A_68 = vector.load %arg9[%get3A_66, %get3A_67] : memref<512x64xf32, #tpu.memory_space<vmem>>, vector<512x64xf32>
    %dot_general3A_69 = arith.constant dense<0.000000e+00> : vector<512x512xf32>
    %dot_general3A_70 = tpu.matmul %slice3A_65, %get3A_68, %dot_general3A_69 {dimension_numbers = #tpu.dot_dimension_numbers<[1], [1], [0], [0], [0, 0, 1, 0], [], []>, transpose_lhs_hint = false} : vector<512x64xf32>, vector<512x64xf32>, vector<512x512xf32> -> vector<512x512xf32>
    %slice3A_71 = vector.extract_strided_slice %get3A_30 {offsets = [1, 0], sizes = [1, 512], strides = [1, 1]} : vector<4x512xf32> to vector<1x512xf32>
    %squeeze3A_72 = vector.shape_cast %slice3A_71 : vector<1x512xf32> to vector<512xf32>
    %broadcast_in_dim3A_73 = vector.shape_cast %squeeze3A_72 : vector<512xf32> to vector<1x512xf32>
    %add3A_74 = vector.broadcast %broadcast_in_dim3A_73 : vector<1x512xf32> to vector<512x512xf32>
    %add3A_75 = arith.addf %dot_general3A_70, %add3A_74 : vector<512x512xf32>
    %reduce_min3A_76 = arith.constant dense<0x7F800000> : vector<512xf32>
    %reduce_min3A_77 = vector.multi_reduction <minimumf>, %add3A_75, %reduce_min3A_76 [1] : vector<512x512xf32> to vector<512xf32>
    %reduce_sum3A_78 = vector.shape_cast %reduce_min3A_77 : vector<512xf32> to vector<1x512xf32>
    %reduce_sum3A_79 = arith.constant dense<0.000000e+00> : vector<1xf32>
    %reduce_sum3A_80 = vector.multi_reduction <add>, %reduce_sum3A_78, %reduce_sum3A_79 [1] : vector<1x512xf32> to vector<1xf32>
    %reduce_sum3A_81 = vector.shape_cast %reduce_sum3A_80 : vector<1xf32> to vector<1x1xf32>
    %reduce_sum3A_82 = vector.extract %reduce_sum3A_81[0, 0] : f32 from vector<1x1xf32>
    %add3A_83 = arith.addf %add3A_49, %reduce_sum3A_82 : f32
    %broadcast_in_dim3A_84 = vector.shape_cast %reduce_min3A_77 : vector<512xf32> to vector<512x1xf32>
    %eq3A_85 = vector.broadcast %broadcast_in_dim3A_84 : vector<512x1xf32> to vector<512x512xf32>
    %eq3A_86 = arith.cmpf oeq, %add3A_75, %eq3A_85 : vector<512x512xf32>
    %jit3A_87 = arith.constant 5.120000e+02 : f32
    %broadcast_in_dim3A_88 = vector.broadcast %jit3A_87 : f32 to vector<512x512xf32>
    %select_n3A_89 = arith.select %eq3A_86, %convert_element_type3A, %broadcast_in_dim3A_88 : vector<512x512xi1>, vector<512x512xf32>
    %reduce_min3A_90 = arith.constant dense<0x7F800000> : vector<512xf32>
    %reduce_min3A_91 = vector.multi_reduction <minimumf>, %select_n3A_89, %reduce_min3A_90 [1] : vector<512x512xf32> to vector<512xf32>
    %broadcast_in_dim3A_92 = vector.shape_cast %reduce_min3A_91 : vector<512xf32> to vector<512x1xf32>
    %eq3A_93 = vector.broadcast %broadcast_in_dim3A_92 : vector<512x1xf32> to vector<512x512xf32>
    %eq3A_94 = arith.cmpf oeq, %convert_element_type3A, %eq3A_93 : vector<512x512xf32>
    %convert_element_type3A_95 = arith.extui %eq3A_94 : vector<512x512xi1> to vector<512x512xi32>
    %convert_element_type3A_96 = arith.sitofp %convert_element_type3A_95 : vector<512x512xi32> to vector<512x512xf32>
    %get3A_97 = arith.constant 0 : index
    %get3A_98 = arith.constant 0 : index
    %get3A_99 = vector.load %arg14[%get3A_97, %get3A_98] : memref<512x111xf32, #tpu.memory_space<vmem>>, vector<512x111xf32>
    %dot_general3A_100 = arith.constant dense<0.000000e+00> : vector<512x111xf32>
    %dot_general3A_101 = tpu.matmul %convert_element_type3A_96, %get3A_99, %dot_general3A_100 {dimension_numbers = #tpu.dot_dimension_numbers<[1], [0], [0], [1], [0, 0, 1, 1], [], []>, transpose_lhs_hint = false} : vector<512x512xf32>, vector<512x111xf32>, vector<512x111xf32> -> vector<512x111xf32>
    %slice3A_102 = vector.extract_strided_slice %add3A_27 {offsets = [0, 128], sizes = [512, 64], strides = [1, 1]} : vector<512x256xf32> to vector<512x64xf32>
    %get3A_103 = arith.constant 0 : index
    %get3A_104 = arith.constant 0 : index
    %get3A_105 = vector.load %arg10[%get3A_103, %get3A_104] : memref<512x64xf32, #tpu.memory_space<vmem>>, vector<512x64xf32>
    %dot_general3A_106 = arith.constant dense<0.000000e+00> : vector<512x512xf32>
    %dot_general3A_107 = tpu.matmul %slice3A_102, %get3A_105, %dot_general3A_106 {dimension_numbers = #tpu.dot_dimension_numbers<[1], [1], [0], [0], [0, 0, 1, 0], [], []>, transpose_lhs_hint = false} : vector<512x64xf32>, vector<512x64xf32>, vector<512x512xf32> -> vector<512x512xf32>
    %slice3A_108 = vector.extract_strided_slice %get3A_30 {offsets = [2, 0], sizes = [1, 512], strides = [1, 1]} : vector<4x512xf32> to vector<1x512xf32>
    %squeeze3A_109 = vector.shape_cast %slice3A_108 : vector<1x512xf32> to vector<512xf32>
    %broadcast_in_dim3A_110 = vector.shape_cast %squeeze3A_109 : vector<512xf32> to vector<1x512xf32>
    %add3A_111 = vector.broadcast %broadcast_in_dim3A_110 : vector<1x512xf32> to vector<512x512xf32>
    %add3A_112 = arith.addf %dot_general3A_107, %add3A_111 : vector<512x512xf32>
    %reduce_min3A_113 = arith.constant dense<0x7F800000> : vector<512xf32>
    %reduce_min3A_114 = vector.multi_reduction <minimumf>, %add3A_112, %reduce_min3A_113 [1] : vector<512x512xf32> to vector<512xf32>
    %reduce_sum3A_115 = vector.shape_cast %reduce_min3A_114 : vector<512xf32> to vector<1x512xf32>
    %reduce_sum3A_116 = arith.constant dense<0.000000e+00> : vector<1xf32>
    %reduce_sum3A_117 = vector.multi_reduction <add>, %reduce_sum3A_115, %reduce_sum3A_116 [1] : vector<1x512xf32> to vector<1xf32>
    %reduce_sum3A_118 = vector.shape_cast %reduce_sum3A_117 : vector<1xf32> to vector<1x1xf32>
    %reduce_sum3A_119 = vector.extract %reduce_sum3A_118[0, 0] : f32 from vector<1x1xf32>
    %add3A_120 = arith.addf %add3A_83, %reduce_sum3A_119 : f32
    %broadcast_in_dim3A_121 = vector.shape_cast %reduce_min3A_114 : vector<512xf32> to vector<512x1xf32>
    %eq3A_122 = vector.broadcast %broadcast_in_dim3A_121 : vector<512x1xf32> to vector<512x512xf32>
    %eq3A_123 = arith.cmpf oeq, %add3A_112, %eq3A_122 : vector<512x512xf32>
    %jit3A_124 = arith.constant 5.120000e+02 : f32
    %broadcast_in_dim3A_125 = vector.broadcast %jit3A_124 : f32 to vector<512x512xf32>
    %select_n3A_126 = arith.select %eq3A_123, %convert_element_type3A, %broadcast_in_dim3A_125 : vector<512x512xi1>, vector<512x512xf32>
    %reduce_min3A_127 = arith.constant dense<0x7F800000> : vector<512xf32>
    %reduce_min3A_128 = vector.multi_reduction <minimumf>, %select_n3A_126, %reduce_min3A_127 [1] : vector<512x512xf32> to vector<512xf32>
    %broadcast_in_dim3A_129 = vector.shape_cast %reduce_min3A_128 : vector<512xf32> to vector<512x1xf32>
    %eq3A_130 = vector.broadcast %broadcast_in_dim3A_129 : vector<512x1xf32> to vector<512x512xf32>
    %eq3A_131 = arith.cmpf oeq, %convert_element_type3A, %eq3A_130 : vector<512x512xf32>
    %convert_element_type3A_132 = arith.extui %eq3A_131 : vector<512x512xi1> to vector<512x512xi32>
    %convert_element_type3A_133 = arith.sitofp %convert_element_type3A_132 : vector<512x512xi32> to vector<512x512xf32>
    %get3A_134 = arith.constant 0 : index
    %get3A_135 = arith.constant 0 : index
    %get3A_136 = vector.load %arg15[%get3A_134, %get3A_135] : memref<512x90xf32, #tpu.memory_space<vmem>>, vector<512x90xf32>
    %dot_general3A_137 = arith.constant dense<0.000000e+00> : vector<512x90xf32>
    %dot_general3A_138 = tpu.matmul %convert_element_type3A_133, %get3A_136, %dot_general3A_137 {dimension_numbers = #tpu.dot_dimension_numbers<[1], [0], [0], [1], [0, 0, 1, 1], [], []>, transpose_lhs_hint = false} : vector<512x512xf32>, vector<512x90xf32>, vector<512x90xf32> -> vector<512x90xf32>
    %slice3A_139 = vector.extract_strided_slice %add3A_27 {offsets = [0, 192], sizes = [512, 64], strides = [1, 1]} : vector<512x256xf32> to vector<512x64xf32>
    %get3A_140 = arith.constant 0 : index
    %get3A_141 = arith.constant 0 : index
    %get3A_142 = vector.load %arg11[%get3A_140, %get3A_141] : memref<512x64xf32, #tpu.memory_space<vmem>>, vector<512x64xf32>
    %dot_general3A_143 = arith.constant dense<0.000000e+00> : vector<512x512xf32>
    %dot_general3A_144 = tpu.matmul %slice3A_139, %get3A_142, %dot_general3A_143 {dimension_numbers = #tpu.dot_dimension_numbers<[1], [1], [0], [0], [0, 0, 1, 0], [], []>, transpose_lhs_hint = false} : vector<512x64xf32>, vector<512x64xf32>, vector<512x512xf32> -> vector<512x512xf32>
    %slice3A_145 = vector.extract_strided_slice %get3A_30 {offsets = [3, 0], sizes = [1, 512], strides = [1, 1]} : vector<4x512xf32> to vector<1x512xf32>
    %squeeze3A_146 = vector.shape_cast %slice3A_145 : vector<1x512xf32> to vector<512xf32>
    %broadcast_in_dim3A_147 = vector.shape_cast %squeeze3A_146 : vector<512xf32> to vector<1x512xf32>
    %add3A_148 = vector.broadcast %broadcast_in_dim3A_147 : vector<1x512xf32> to vector<512x512xf32>
    %add3A_149 = arith.addf %dot_general3A_144, %add3A_148 : vector<512x512xf32>
    %reduce_min3A_150 = arith.constant dense<0x7F800000> : vector<512xf32>
    %reduce_min3A_151 = vector.multi_reduction <minimumf>, %add3A_149, %reduce_min3A_150 [1] : vector<512x512xf32> to vector<512xf32>
    %reduce_sum3A_152 = vector.shape_cast %reduce_min3A_151 : vector<512xf32> to vector<1x512xf32>
    %reduce_sum3A_153 = arith.constant dense<0.000000e+00> : vector<1xf32>
    %reduce_sum3A_154 = vector.multi_reduction <add>, %reduce_sum3A_152, %reduce_sum3A_153 [1] : vector<1x512xf32> to vector<1xf32>
    %reduce_sum3A_155 = vector.shape_cast %reduce_sum3A_154 : vector<1xf32> to vector<1x1xf32>
    %reduce_sum3A_156 = vector.extract %reduce_sum3A_155[0, 0] : f32 from vector<1x1xf32>
    %add3A_157 = arith.addf %add3A_120, %reduce_sum3A_156 : f32
    %broadcast_in_dim3A_158 = vector.shape_cast %reduce_min3A_151 : vector<512xf32> to vector<512x1xf32>
    %eq3A_159 = vector.broadcast %broadcast_in_dim3A_158 : vector<512x1xf32> to vector<512x512xf32>
    %eq3A_160 = arith.cmpf oeq, %add3A_149, %eq3A_159 : vector<512x512xf32>
    %jit3A_161 = arith.constant 5.120000e+02 : f32
    %broadcast_in_dim3A_162 = vector.broadcast %jit3A_161 : f32 to vector<512x512xf32>
    %select_n3A_163 = arith.select %eq3A_160, %convert_element_type3A, %broadcast_in_dim3A_162 : vector<512x512xi1>, vector<512x512xf32>
    %reduce_min3A_164 = arith.constant dense<0x7F800000> : vector<512xf32>
    %reduce_min3A_165 = vector.multi_reduction <minimumf>, %select_n3A_163, %reduce_min3A_164 [1] : vector<512x512xf32> to vector<512xf32>
    %broadcast_in_dim3A_166 = vector.shape_cast %reduce_min3A_165 : vector<512xf32> to vector<512x1xf32>
    %eq3A_167 = vector.broadcast %broadcast_in_dim3A_166 : vector<512x1xf32> to vector<512x512xf32>
    %eq3A_168 = arith.cmpf oeq, %convert_element_type3A, %eq3A_167 : vector<512x512xf32>
    %convert_element_type3A_169 = arith.extui %eq3A_168 : vector<512x512xi1> to vector<512x512xi32>
    %convert_element_type3A_170 = arith.sitofp %convert_element_type3A_169 : vector<512x512xi32> to vector<512x512xf32>
    %get3A_171 = arith.constant 0 : index
    %get3A_172 = arith.constant 0 : index
    %get3A_173 = vector.load %arg16[%get3A_171, %get3A_172] : memref<512x90xf32, #tpu.memory_space<vmem>>, vector<512x90xf32>
    %dot_general3A_174 = arith.constant dense<0.000000e+00> : vector<512x90xf32>
    %dot_general3A_175 = tpu.matmul %convert_element_type3A_170, %get3A_173, %dot_general3A_174 {dimension_numbers = #tpu.dot_dimension_numbers<[1], [0], [0], [1], [0, 0, 1, 1], [], []>, transpose_lhs_hint = false} : vector<512x512xf32>, vector<512x90xf32>, vector<512x90xf32> -> vector<512x90xf32>
    %slice3A_176 = vector.extract_strided_slice %dot_general3A_64 {offsets = [0, 0], sizes = [512, 36], strides = [1, 1]} : vector<512x225xf32> to vector<512x36xf32>
    %slice3A_177 = vector.extract_strided_slice %dot_general3A_101 {offsets = [0, 0], sizes = [512, 36], strides = [1, 1]} : vector<512x111xf32> to vector<512x36xf32>
    %add3A_178 = arith.addf %slice3A_176, %slice3A_177 : vector<512x36xf32>
    %slice3A_179 = vector.extract_strided_slice %dot_general3A_64 {offsets = [0, 36], sizes = [512, 39], strides = [1, 1]} : vector<512x225xf32> to vector<512x39xf32>
    %slice3A_180 = vector.extract_strided_slice %get3A_1 {offsets = [0, 75], sizes = [512, 90], strides = [1, 1]} : vector<512x165xf32> to vector<512x90xf32>
    %concatenate3A = tpu.concatenate %add3A_178, %slice3A_179, %slice3A_180 in 1 : vector<512x36xf32>, vector<512x39xf32>, vector<512x90xf32> -> vector<512x165xf32>
    %swap3A = arith.constant 0 : index
    %swap3A_181 = arith.constant 0 : index
    %swap3A_182 = vector.load %arg17[%swap3A, %swap3A_181] : memref<512x165xf32, #tpu.memory_space<vmem>>, vector<512x165xf32>
    tpu.vector_store %arg17[%swap3A, %swap3A_181], %concatenate3A {strides = array<i32>} : memref<512x165xf32, #tpu.memory_space<vmem>>, vector<512x165xf32>,
    %slice3A_183 = vector.extract_strided_slice %dot_general3A_64 {offsets = [0, 75], sizes = [512, 72], strides = [1, 1]} : vector<512x225xf32> to vector<512x72xf32>
    %slice3A_184 = vector.extract_strided_slice %dot_general3A_101 {offsets = [0, 36], sizes = [512, 72], strides = [1, 1]} : vector<512x111xf32> to vector<512x72xf32>
    %add3A_185 = arith.addf %slice3A_183, %slice3A_184 : vector<512x72xf32>
    %slice3A_186 = vector.extract_strided_slice %dot_general3A_64 {offsets = [0, 147], sizes = [512, 78], strides = [1, 1]} : vector<512x225xf32> to vector<512x78xf32>
    %concatenate3A_187 = tpu.concatenate %add3A_185, %slice3A_186, %dot_general3A_138, %dot_general3A_175 in 1 : vector<512x72xf32>, vector<512x78xf32>, vector<512x90xf32>, vector<512x90xf32> -> vector<512x330xf32>
    %swap3A_188 = arith.constant 0 : index
    %swap3A_189 = arith.constant 0 : index
    %swap3A_190 = vector.load %arg18[%swap3A_188, %swap3A_189] : memref<512x330xf32, #tpu.memory_space<vmem>>, vector<512x330xf32>
    tpu.vector_store %arg18[%swap3A_188, %swap3A_189], %concatenate3A_187 {strides = array<i32>} : memref<512x330xf32, #tpu.memory_space<vmem>>, vector<512x330xf32>,
    %slice3A_191 = vector.extract_strided_slice %dot_general3A_101 {offsets = [0, 108], sizes = [512, 3], strides = [1, 1]} : vector<512x111xf32> to vector<512x3xf32>
    %swap3A_192 = arith.constant 0 : index
    %swap3A_193 = arith.constant 0 : index
    %swap3A_194 = vector.load %arg19[%swap3A_192, %swap3A_193] : memref<512x3xf32, #tpu.memory_space<vmem>>, vector<512x3xf32>
    tpu.vector_store %arg19[%swap3A_192, %swap3A_193], %slice3A_191 {strides = array<i32>} : memref<512x3xf32, #tpu.memory_space<vmem>>, vector<512x3xf32>,
    %eq3A_195 = arith.constant 0 : i32
    %eq3A_196 = arith.cmpi eq, %arg0, %eq3A_195 : i32
    %convert_element_type3A_197 = arith.extui %eq3A_196 : i1 to i32
    %cond3A = arith.constant 0 : i32
    %cond3A_198 = arith.cmpi ne, %convert_element_type3A_197, %cond3A : i32
    scf.if %cond3A_198 {
      %broadcast_in_dim3A_209 = arith.constant 0.000000e+00 : f32
      %broadcast_in_dim3A_210 = vector.broadcast %broadcast_in_dim3A_209 : f32 to vector<1x1xf32>
      %swap3A_211 = arith.constant 0 : index
      %swap3A_212 = arith.constant 0 : index
      %swap3A_213 = vector.load %arg20[%swap3A_211, %swap3A_212] : memref<1x1xf32, #tpu.memory_space<vmem>>, vector<1x1xf32>
      tpu.vector_store %arg20[%swap3A_211, %swap3A_212], %broadcast_in_dim3A_210 {strides = array<i32>} : memref<1x1xf32, #tpu.memory_space<vmem>>, vector<1x1xf32>,
    } else {
    }
    %get3A_199 = arith.constant 0 : index
    %get3A_200 = arith.constant 0 : index
    %get3A_201 = vector.load %arg20[%get3A_199, %get3A_200] : memref<1x1xf32, #tpu.memory_space<vmem>>, vector<1x1xf32>
    %reshape3A = vector.broadcast %add3A_157 : f32 to vector<1x1xf32>
    %mul3A_202 = arith.constant 5.96046448E-7 : f32
    %mul3A_203 = vector.broadcast %mul3A_202 : f32 to vector<1x1xf32>
    %mul3A_204 = arith.mulf %mul3A_203, %reshape3A : vector<1x1xf32>
    %add3A_205 = arith.addf %get3A_201, %mul3A_204 : vector<1x1xf32>
    %swap3A_206 = arith.constant 0 : index
    %swap3A_207 = arith.constant 0 : index
    %swap3A_208 = vector.load %arg20[%swap3A_206, %swap3A_207] : memref<1x1xf32, #tpu.memory_space<vmem>>, vector<1x1xf32>
    tpu.vector_store %arg20[%swap3A_206, %swap3A_207], %add3A_205 {strides = array<i32>} : memref<1x1xf32, #tpu.memory_space<vmem>>, vector<1x1xf32>,
    return
  }
  func.func @transform_0(%arg0: i32) -> (i32, i32) {
    %c0_i32 = arith.constant 0 : i32
    %c0_i32_0 = arith.constant 0 : i32
    return %arg0, %c0_i32 : i32, i32
  }
  func.func @transform_1(%arg0: i32) -> (i32, i32) {
    %c0_i32 = arith.constant 0 : i32
    %c0_i32_0 = arith.constant 0 : i32
    return %arg0, %c0_i32 : i32, i32
  }
  func.func @transform_2(%arg0: i32) -> (i32, i32) {
    %c0_i32 = arith.constant 0 : i32
    %c0_i32_0 = arith.constant 0 : i32
    return %arg0, %c0_i32 : i32, i32
  }
  func.func @transform_3(%arg0: i32) -> (i32, i32) {
    %c0_i32 = arith.constant 0 : i32
    %c0_i32_0 = arith.constant 0 : i32
    %c0_i32_1 = arith.constant 0 : i32
    return %c0_i32, %c0_i32_0 : i32, i32
  }
  func.func @transform_4(%arg0: i32) -> (i32, i32) {
    %c0_i32 = arith.constant 0 : i32
    %c0_i32_0 = arith.constant 0 : i32
    %c0_i32_1 = arith.constant 0 : i32
    return %c0_i32, %c0_i32_0 : i32, i32
  }
  func.func @transform_5(%arg0: i32) -> (i32, i32) {
    %c0_i32 = arith.constant 0 : i32
    %c0_i32_0 = arith.constant 0 : i32
    %c0_i32_1 = arith.constant 0 : i32
    return %c0_i32, %c0_i32_0 : i32, i32
  }
  func.func @transform_6(%arg0: i32) -> (i32, i32) {
    %c0_i32 = arith.constant 0 : i32
    %c0_i32_0 = arith.constant 0 : i32
    %c0_i32_1 = arith.constant 0 : i32
    return %c0_i32, %c0_i32_0 : i32, i32
  }
  func.func @transform_7(%arg0: i32) -> (i32, i32) {
    %c0_i32 = arith.constant 0 : i32
    %c0_i32_0 = arith.constant 0 : i32
    %c0_i32_1 = arith.constant 0 : i32
    return %c0_i32, %c0_i32_0 : i32, i32
  }
  func.func @transform_8(%arg0: i32) -> (i32, i32) {
    %c0_i32 = arith.constant 0 : i32
    %c0_i32_0 = arith.constant 0 : i32
    %c0_i32_1 = arith.constant 0 : i32
    return %c0_i32, %c0_i32_0 : i32, i32
  }
  func.func @transform_9(%arg0: i32) -> (i32, i32) {
    %c0_i32 = arith.constant 0 : i32
    %c0_i32_0 = arith.constant 0 : i32
    %c0_i32_1 = arith.constant 0 : i32
    return %c0_i32, %c0_i32_0 : i32, i32
  }
  func.func @transform_10(%arg0: i32) -> (i32, i32) {
    %c0_i32 = arith.constant 0 : i32
    %c0_i32_0 = arith.constant 0 : i32
    %c0_i32_1 = arith.constant 0 : i32
    return %c0_i32, %c0_i32_0 : i32, i32
  }
  func.func @transform_11(%arg0: i32) -> (i32, i32) {
    %c0_i32 = arith.constant 0 : i32
    %c0_i32_0 = arith.constant 0 : i32
    %c0_i32_1 = arith.constant 0 : i32
    return %c0_i32, %c0_i32_0 : i32, i32
  }
  func.func @transform_12(%arg0: i32) -> (i32, i32) {
    %c0_i32 = arith.constant 0 : i32
    %c0_i32_0 = arith.constant 0 : i32
    %c0_i32_1 = arith.constant 0 : i32
    return %c0_i32, %c0_i32_0 : i32, i32
  }
  func.func @transform_13(%arg0: i32) -> (i32, i32) {
    %c0_i32 = arith.constant 0 : i32
    %c0_i32_0 = arith.constant 0 : i32
    %c0_i32_1 = arith.constant 0 : i32
    return %c0_i32, %c0_i32_0 : i32, i32
  }
  func.func @transform_14(%arg0: i32) -> (i32, i32) {
    %c0_i32 = arith.constant 0 : i32
    %c0_i32_0 = arith.constant 0 : i32
    %c0_i32_1 = arith.constant 0 : i32
    return %c0_i32, %c0_i32_0 : i32, i32
  }
  func.func @transform_15(%arg0: i32) -> (i32, i32) {
    %c0_i32 = arith.constant 0 : i32
    %c0_i32_0 = arith.constant 0 : i32
    %c0_i32_1 = arith.constant 0 : i32
    return %c0_i32, %c0_i32_0 : i32, i32
  }
  func.func @transform_16(%arg0: i32) -> (i32, i32) {
    %c0_i32 = arith.constant 0 : i32
    %c0_i32_0 = arith.constant 0 : i32
    return %arg0, %c0_i32 : i32, i32
  }
  func.func @transform_17(%arg0: i32) -> (i32, i32) {
    %c0_i32 = arith.constant 0 : i32
    %c0_i32_0 = arith.constant 0 : i32
    return %arg0, %c0_i32 : i32, i32
  }
  func.func @transform_18(%arg0: i32) -> (i32, i32) {
    %c0_i32 = arith.constant 0 : i32
    %c0_i32_0 = arith.constant 0 : i32
    return %arg0, %c0_i32 : i32, i32
  }
  func.func @transform_19(%arg0: i32) -> (i32, i32) {
    %c0_i32 = arith.constant 0 : i32
    %c0_i32_0 = arith.constant 0 : i32
    %c0_i32_1 = arith.constant 0 : i32
    return %c0_i32, %c0_i32_0 : i32, i32
  }
}

</mosaic_0001>

<sc_bundles>
// kernel: sparse-core-data-format-call.cloned.1.call-start
scs
called_computation_lowered:
.L_overlay_start_0:
0x0: {  	s2 =	sld [smem:$0x3FD9]  }
0x1: {  	s3 =	sld [smem:$0x3FFE];
	_ =	sdelay $0x1  }
0x2: {  	s1 =	srdreg.scid  }
0x3: {  	s0 =	sand.u32 $0x1, s1  }
0x4: {  	s15 =	sshll.u32 s0, $0xA;
	s2 =	sadd.s32 s3, s2  }
0x5: {  	s2 =	sadd.s32 s2, s15  }
0x6: {  	[smem:$0x3FB1] =	sst s2  }
0x7: {  	_ = 	snop  }
0x8: {  	s2 =	sld [smem:$0x3FD0];
	_ =	sdelay $0x2  }
0x9: {  	s16 =	simm.s32 $0xA;
	s4 =	simm.s32 $0x10  }
0xa: {  	[smem:s4], [sflag:s16] =	dma.local [hbm:s2], $0x1  }
0xb: {  	_ =	swait.eq [sflag:s16], $0x1  }
0xc: {  	[sflag:s16] =	ssyncset.done $0x0  }
0xd: {  	[sflag:s16] =	ssyncadd.s32 $0xFFFFFFFF  }
0xe: {  	s17 =	sld [smem:$0x11];
	(tm) =	ssettm $0x1  }
0xf: {  	s18 =	sld [smem:$0x3FFB];
	_ =	sdelay $0x3  }
0x10: {  	_ =	strace s18  }
0x11: {  	s3 =	sld [smem:$0x3FFC];
	_ =	sdelay $0x3  }
0x12: {  	_ =	strace s3  }
0x13: {  	s3 =	sld [smem:$0x3FFD];
	_ =	sdelay $0x3  }
0x14: {  	_ =	strace s3  }
0x15: {  	_ =	strace $0x8FFFFFFF  }
0x16: {  	s19 =	sld [smem:$0x3FDB];
	_ =	sdelay $0x1  }
0x17: {  	s20 =	simm.s32 $_scs_section_size  }
0x18: {  	s5 =	simm.s32 $_size__tile_overlayer_lowered;
	s6 =	simm.s32 $_tile_overlayer_lowered  }
0x19: {  	s23 =	simm.s32 $0x1BFF;
	s22 =	sshll.u32 s6, $0x1;
	s3 =	sadd.s32 s20, s19  }
0x1a: {  	s7 =	simm.s32 $0x0;
	s21 =	sshll.u32 s5, $0x1;
	s5 =	sadd.s32 s22, s3  }
0x1b: {  	[timem:s7], [sflag:s23] =	dma.local [hbm:s5], s21  }
0x1c: {  	_ =	swait.ge [sflag:s23], s21  }
0x1d: {  	s4 =	ssub.s32 $0x0, s21;
	[sflag:s23] =	ssyncset.done $0x0  }
0x1e: {  	[sflag:s23] =	ssyncadd.s32 s4;
	_ =	sdelay $0x1  }
0x1f: {  	s24 =	simm.s32 $0x1B8B  }
0x20: {  	_ =	swait.ge [sflag:s24], $0x1  }
0x21: {  	[sflag:s24] =	ssyncset.done $0x0  }
0x22: {  	s26 =	simm.s32 $0x1B8E;
	s25 =	sld [smem:$0x3FFE];
	[sflag:s24] =	ssyncadd.s32 $0xFFFFFFFF  }
0x23: {  	s27 =	simm.s32 $execute0_lowered;
	[smem:$0x3FD2] =	sst s26  }
0x24: {  	s5 =	sshll.u32 s27, $0x1;
	_ =	strace $0x80000046;
	[dreg:$0x1] =	wrdreg $0xFFFFFFFF  }
0x25: {  	s28 =	simm.s32 $_size_execute0_lowered;
	s3 =	sadd.s32 s3, s5;
	[dreg:$0x0] =	wrdreg $0x0  }
0x26: {  	s5 =	sshll.u32 s28, $0x1;
	[dreg:$0x2] =	wrdreg s3  }
0x27: {  	[dreg:$0x3] =	wrdreg s5  }
0x28: {  	[dreg:$0x4] =	wrdreg $0xC0  }
0x29: {  	_ =	task [dreg:s7], $0x5FFFF  }
0x2a: {  	[dreg:$0x1] =	wrdreg $0xFFFFFFFF  }
0x2b: {  	[dreg:$0x0] =	wrdreg $0x60  }
0x2c: {  	[dreg:$0x2] =	wrdreg s25  }
0x2d: {  	[dreg:$0x3] =	wrdreg s17  }
0x2e: {  	[dreg:$0x4] =	wrdreg $0x9  }
0x2f: {  	_ =	task.clear_ibuf [dreg:s7], $0x5FFFF;
	_ =	strace $0x90000046  }
0x30: {  	s29 =	simm.s32 $0x9;
	_ =	strace $0x80000048  }
0x31: {  	_ =	swait.ge [sflag:s29], $0x1  }
0x32: {  	[sflag:s29] =	ssyncadd.s32 $0xFFFFFFFF  }
0x33: {  	_ =	strace $0x90000048  }
0x34: {  	_ =	sfence  }
0x35: {  	s30 =	sld [smem:$0x0];
	_ =	sdelay $0x2  }
0x36: {  	s31 =	sshll.u32 s1, $0xD;
	s1 =	sshrl.u32 s1, $0x2  }
0x37: {  	s3 =	sand.u32 $0x4000, s31;
	s1 =	sadd.s32 s1, s30  }
0x38: {  	s0 =	sor.u32 s3, s0;
	s1 =	sshll.u32 s1, $0x11  }
0x39: {  	s0 =	sor.u32 s1, s0  }
0x3a: {  	s0 =	sadd.s32 $0x8F2B, s0  }
0x3b: {  	[sflag:s0] =	ssyncadd.remote.s32 $0x1  }
0x3c: {  	_ =	sfence.sel $0xFFFF  }
0x3d: {  	[dreg:$0x0] =	wrdreg $0xFFFFFFFF;
	(pc) =	sbr.abs _section_cstart, $3  }
0x3e: {  	[dreg:$0x1] =	wrdreg $0xFFFFFFFF  }
0x3f: {  	_ =	task.clear_ibuf [dreg:s7], $0x2FFFF;
	_ =	strace $0x9FFFFFFF  }
0x40: {  	(tm) =	ssettm $0x7FFFFFFF  }
0x41: {  	_ =	shalt  }
tec
execute0_lowered:
.L_overlay_start_1:
0x0: {  	(tag) =	ssettag $0x1  }
0x1: {  	s3 =	rddreg [dreg:$0x0]  }
0x2: {  	s0 =	srdreg.scid;
	s2 =	rddreg [dreg:$0x1]  }
0x3: {  	s7 =	simm.s32 $0x2;
	s17 =	simm.s32 $0x0;
	p0 =	por $0x0, $0x0  }
0x4: {  	s8 =	simm.s32 $0x8000;
	s16 =	simm.s32 $0x0;
	s0 =	sshll.u32 s0, $0x7  }
0x5: {  	s18 =	simm.s32 $0x0;
	s9 =	simm.s32 $0x0;
	s1 =	sand.u32 $0x80, s0  }
0x6: {  	s10 =	simm.s32 $0x0;
	s11 =	simm.s32 $0x0;
	s4 =	ssub.s32 $0x800, s1  }
0x7: {  	s12 =	simm.s32 $0x0;
	s14 =	stileid.u32;
	s5 =	sshrl.u32 s4, $0x7  }
.Ltmp0:
0x8: {  	s6 =	sshrl.u32 s4, $0x8;
	s5 =	sand.u32 $0x1, s5;
	(pc) =	sbr.rel .LBB1_1-.Ltmp0, $4  }
0x9: {  	s15 =	simm.s32 $0x0;
	s0 =	rddreg [dreg:$0x2];
	s5 =	sadd.s32 s6, s5  }
0xa: {  	_ =	strace $0x80000047;
	s4 =	simm.s32 $0x1;
	s5 =	smul.u32 $0x3, s5  }
0xb: {  	s13 =	smov.u32 s1;
	[sflag:s4] =	ssyncpa.u1 $0x0;
	s6 =	sadd.s32 $0x280000, s3  }
0xc: {  	s3 =	stileid.u32;
	[sflag:s7] =	ssyncpa.u1 $0x0;
	s7 =	sadd.s32 $0x1, s5  }
.LBB1_4:
0xd: {  	s23 =	sshra.s32 s23, $0x2  }
0xe: {  	s28 =	sand.u32 $0x78, s10;
	s24 =	sshll.u32 s11, $0x7;
	p1 =	sgt.s32 s11, $0xF  }
0xf: {  	s25 =	smov.u32 s11;
	s26 =	sshra.s32 s11, $0x1F;
	s27 =	smov.u32 s9  }
0x10: {  	s30 =	sshll.u32 s11, $0xB;
	s31 =	sshra.s32 s9, $0x1F;
	s22 =	sadd.s32 s23, s22  }
0x11: {  	s24 =	sand.u32 $0x380, s24;
	s25 =	simm.s32 @!p1 $0xF;
	p1 =	sgt.s32 s9, $0xCA  }
0x12: {  	s26 =	sand.u32 s26, s11;
	s23 =	sor.u32 s24, s28;
	s27 =	simm.s32 @!p1 $0xCA  }
0x13: {  	s24 =	ssub.s32 s25, s26;
	p1 =	sgt.s32 s10, $0x780;
	s26 =	smov.u32 s10  }
0x14: {  	v5 =	vld [tilespmem:s20+$0xFFFFFFD0];
	[tilespmem:s21+$0x2040 ss:$0x81] =	vst.msk $0xffff, v4;
	s28 =	sshra.s32 s10, $0x1F;
	s25 =	sadd.s32 $0xFFFFFFF1, s24;
	s26 =	simm.s32 @!p1 $0x780  }
0x15: {  	v58 =	vld [tilespmem:s20+$0xFFFFFFE0];
	[tilespmem:s21+$0x2850 ss:$0x81] =	vst.msk $0xffff, v3;
	s29 =	sand.u32 s28, s10;
	s28 =	sand.u32 $0x4000, s30;
	s24 =	ssub.s32 $0x10, s24  }
0x16: {  	v59 =	vld [tilespmem:s20+$0xFFFFFFF0];
	[tilespmem:s21+$0x3060 ss:$0x81] =	vst.msk $0xffff, v2;
	p1 =	sgt.s32 s25, $0x0;
	s25 =	ssub.s32 s26, s29;
	s26 =	sand.u32 s31, s9  }
0x17: {  	[tilespmem:s21+$0x0 ss:$0x81] =	vst.msk $0xffff, v1;
	v60 =	vld [tilespmem:s20+$0x0];
	s30 =	sshll.u32 s10, $0x3;
	s21 =	ssub.s32 s27, s26;
	s24 =	simm.s32 @p1 $0x0  }
0x18: {  	v61 =	vld [tilespmem:s20+$0x10];
	[tilespmem:s22+$0x3870 ss:$0x81] =	vst.msk $0xffff, v0;
	s27 =	sadd.s32 $0xFFFFF880, s25;
	s25 =	ssub.s32 $0x800, s25;
	s26 =	sadd.s32 s28, s30  }
0x19: {  	v62 =	vld [tilespmem:s20+$0x20];
	[tilespmem:s22+$0x810 ss:$0x81] =	vst.msk $0xffff, v5;
	p1 =	sgt.s32 s27, $0x7F;
	s29 =	sadd.s32 $0xFFFFFF36, s21;
	s21 =	ssub.s32 $0x14A, s21  }
0x1a: {  	v63 =	vld [tilespmem:s20+$0xFFFFFFC0];
	[tilespmem:s22+$0x1020 ss:$0x81] =	vst.msk $0xffff, v58;
	s27 =	sshll.u32 s9, $0xC;
	s28 =	sshrl.u32 s26, $0x3;
	s25 =	simm.s32 @p1 $0x0  }
0x1b: {  	[tilespmem:s22+$0x1830 ss:$0x81] =	vst.msk $0xffff, v59;
	p1 =	sgt.s32 s29, $0x7F;
	s29 =	sand.u32 $0x7, s10;
	s31 =	smul.u32 s24, s25  }
0x1c: {  	[tilespmem:s22+$0x2040 ss:$0x81] =	vst.msk $0xffff, v60;
	s25 =	sand.u32 $0x400, s30;
	s21 =	simm.s32 @p1 $0x0;
	s24 =	sand.u32 $0xF00, s28  }
0x1d: {  	[tilespmem:s22+$0x2850 ss:$0x81] =	vst.msk $0xffff, v61;
	s23 =	sor.u32 s25, s23;
	s20 =	smul.u32 s21, s31;
	s21 =	sadd.s32 s2, s27  }
0x1e: {  	[tilespmem:s22+$0x3060 ss:$0x81] =	vst.msk $0xffff, v62;
	s30 =	sshll.u32 s29, $0x12;
	s23 =	sshrl.u32 s23, $0x3;
	s21 =	sadd.s32 s24, s21  }
0x1f: {  	[tilespmem:s22+$0x0 ss:$0x81] =	vst.msk $0xffff, v63;
	s31 =	sor.u32 $0x80, s30;
	s20 =	sand.u32 $0x3FFFFFFF, s20;
	s21 =	sadd.s32 s23, s21  }
0x20: {  	[hbm4b:s21+s31] =	stream.strided.scatter [tilespmem:s19], [sflag:$0x2], s20, s8, s31, $0x20;
	[tilespmem:$0x10100] =	vst v63  }
.LBB1_5:
0x21: {  	p1 =	slt.u32 s15, $0x2;
	s20 =	smov.u32 s18  }
0x22: {  	p2 =	sgt.s32 @!p1 s17, $0xCA;
	s19 =	sshra.s32 @!p1 s17, $0x1F;
	p3 =	sgt.s32 @!p1 s18, $0xF  }
0x23: {  	s21 =	sshra.s32 @!p1 s18, $0x1F;
	p2 =	por !p2, p1;
	s19 =	sand.u32 @!p1 s19, s17  }
0x24: {  	p3 =	por !p3, p1;
	s18 =	sand.u32 @!p1 s21, s18;
	s21 =	sshra.s32 @!p1 s16, $0x1F  }
0x25: {  	s20 =	simm.s32 @p3 $0xF;
	p3 =	sgt.s32 @!p1 s16, $0x780;
	s17 =	simm.s32 @p2 $0xCA  }
0x26: {  	s18 =	ssub.s32 @!p1 s20, s18;
	p3 =	por !p3, p1;
	s20 =	smov.u32 s16  }
0x27: {  	s16 =	sand.u32 @!p1 s21, s16;
	s17 =	ssub.s32 @!p1 s17, s19;
	s20 =	simm.s32 @p3 $0x780  }
0x28: {  	s19 =	sadd.s32 @!p1 $0xFFFFFFF1, s18;
	s18 =	ssub.s32 @!p1 $0x10, s18;
	s16 =	ssub.s32 @!p1 s20, s16  }
0x29: {  	s20 =	sadd.s32 @!p1 $0xFFFFFF36, s17;
	p2 =	sgt.s32 @!p1 s19, $0x0;
	s19 =	sadd.s32 @!p1 $0xFFFFF880, s16  }
0x2a: {  	s17 =	ssub.s32 @!p1 $0x14A, s17;
	p2 =	por !p2, p1;
	p3 =	sgt.s32 @!p1 s19, $0x7F  }
0x2b: {  	s16 =	ssub.s32 @!p1 $0x800, s16;
	s18 =	simm.s32 @!p2 $0x0;
	p2 =	por !p3, p1  }
0x2c: {  	s19 =	sadd.s32 $0x80, s12;
	p3 =	sgt.s32 @!p1 s20, $0x7F;
	s16 =	simm.s32 @!p2 $0x0  }
0x2d: {  	s20 =	smov.u32 s13;
	p2 =	por !p3, p1;
	s16 =	smul.u32 @!p1 s18, s16  }
0x2e: {  	s17 =	simm.s32 @!p2 $0x0;
	p2 =	sgt.s32 s19, $0x149;
	s18 =	sadd.s32 $0x100, s13  }
0x2f: {  	s21 =	smov.u32 s14;
	s20 =	smov.u32 @p2 s18  }
0x30: {  	s16 =	smul.u32 @!p1 s17, s16;
	p3 =	sgt.s32 s20, $0x7FF;
	s17 =	sadd.s32 $0x10, s14  }
0x31: {  	p0 =	por !p0, !p0;
	s22 =	simm.s32 @!p1 $0x2;
	s21 =	smov.u32 @p3 s17  }
0x32: {  	s19 =	simm.s32 @p2 $0x0;
	s18 =	smov.u32 s11;
	p2 =	sgt.s32 s21, $0xF  }
0x33: {  	s11 =	smov.u32 s14;
	s21 =	smov.u32 @p2 s3;
	p2 =	sne.s32 s15, s7  }
.Ltmp1:
0x34: {  	s20 =	smov.u32 @p3 s1;
	s17 =	smov.u32 s9;
	(pc) =	sbr.rel @!p2 .LBB1_6-.Ltmp1, $4  }
0x35: {  	s9 =	smov.u32 s12;
	s12 =	smov.u32 s19;
	s16 =	sand.u32 @!p1 $0x3FFFFFFF, s16  }
0x36: {  	_ =	swait.ge @!p1 [sflag:s22], s16;
	s23 =	ssub.s32 @!p1 $0x0, s16;
	s16 =	smov.u32 s10  }
0x37: {  	s15 =	sadd.s32 $0x1, s15;
	s10 =	smov.u32 s13;
	[sflag:s22] =	ssyncset.done @!p1 $0x0  }
0x38: {  	s13 =	smov.u32 s20;
	s14 =	smov.u32 s21;
	[sflag:s22] =	ssyncadd.s32 @!p1 s23  }
.LBB1_1:
0x39: {  	p1 =	sge.u32 s15, s5  }
0x3a: {  	s19 =	sshrl.u32 @!p1 s13, $0x3  }
0x3b: {  	s20 =	sshll.u32 @!p1 s12, $0x3;
	s19 =	smul.u32 @!p1 $0xC00, s19  }
0x3c: {  	s21 =	sshll.u32 @!p1 s13, $0x7;
	s20 =	sand.u32 @!p1 $0xFFFFFC00, s20  }
0x3d: {  	s19 =	sadd.s32 @!p1 s19, s20;
	s20 =	sand.u32 @!p1 $0x380, s21  }
0x3e: {  	s21 =	sand.u32 @!p1 $0x7F, s12;
	s19 =	sor.u32 @!p1 s20, s19  }
0x3f: {  	s20 =	sor.u32 @!p1 s21, s19  }
0x40: {  	s21 =	smulhi.u32 @!p1 $0xAAAAAAAB, s20  }
0x41: {  	s19 =	smulhi.u32 @!p1 $0xAAAAAAAB, s19  }
0x42: {  	s21 =	sshrl.u32 @!p1 s21, $0x8  }
0x43: {  	s31 =	sadd.s32 $0xFFFFFFFF, s15;
	s19 =	sshrl.u32 @!p1 s19, $0x8;
	s21 =	smul.u32 @!p1 $0x180, s21  }
0x44: {  	s22 =	sxor.u32 @!p1 $0xFFFFFFFF, s15;
	s23 =	smul.u32 @!p1 $0x18000, s14;
	s19 =	sand.u32 @!p1 $0x7FF, s19  }
0x45: {  	s22 =	sshll.u32 @!p1 s22, $0xE;
	s19 =	smul.u32 @!p1 $0x30, s19;
	s20 =	ssub.s32 @!p1 s20, s21  }
0x46: {  	s21 =	sand.u32 @!p1 $0x4000, s22;
	s22 =	sadd.s32 @!p1 s6, s23;
	s23 =	sand.u32 @!p1 $0x7, s20  }
0x47: {  	s20 =	sshrl.u32 @!p1 s20, $0x3;
	s19 =	sadd.s32 @!p1 s19, s22;
	s22 =	sshll.u32 @!p1 s23, $0x12  }
0x48: {  	s19 =	sadd.s32 @!p1 s20, s19;
	s20 =	sor.u32 @!p1 $0x400, s22;
	s22 =	simm.s32 @!p1 $0xC00  }
0x49: {  	[tilespmem:s21], [sflag:$0x1] =	stream.strided.gather @!p1 [hbm4b:s19+s20], $0x4000, s22, s20, $0x38;
	[tilespmem:$0x10100] =	vst v63  }
0x4a: {  	p1 =	sge.u32 s31, s5  }
.Ltmp2:
0x4b: {  	_ = 	snop;
	(pc) =	sbr.rel @p1 .LBB1_5-.Ltmp2, $1  }
0x4c: {  	_ =	sdelay $0x3  }
0x4d: {  	s19 =	simm.s32 $0x1  }
0x4e: {  	_ =	swait.ge [sflag:s4], $0x4000;
	s19 =	simm.s32 @!p0 $0x0  }
0x4f: {  	[sflag:s4] =	ssyncset.done $0x0;
	s20 =	sshll.u32 s19, $0xE  }
0x50: {  	[sflag:s4] =	ssyncadd.s32 $0xFFFFC000;
	s20 =	sor.u32 $0x40, s20  }
0x51: {  	s19 =	smul.u32 $0x10200, s19;
	v0 =	vld [tilespmem:s20+$0x30]  }
0x52: {  	v1 =	vld [tilespmem:s20+$0xFFFFFFD0]  }
0x53: {  	s19 =	sshrl.u32 s19, $0x2;
	v5 =	vld [tilespmem:s20+$0xFFFFFFE0]  }
0x54: {  	v6 =	vld [tilespmem:s20+$0xFFFFFFF0];
	s22 =	sor.u32 $0x8000, s19  }
0x55: {  	s31 =	sand.u32 $0x1, s15;
	v4 =	vld [tilespmem:s20+$0x0];
	s21 =	sadd.s32 $0x0, s22  }
0x56: {  	v3 =	vld [tilespmem:s20+$0x10];
	s19 =	smul.u32 $0x10200, s31;
	[tilespmem:s21+$0x3870 ss:$0x81] =	vst.msk $0xffff, v0  }
0x57: {  	v2 =	vld [tilespmem:s20+$0x20];
	[tilespmem:s21+$0x810 ss:$0x81] =	vst.msk $0xffff, v1  }
0x58: {  	s19 =	sshrl.u32 s19, $0x2;
	v1 =	vld [tilespmem:s20+$0xFFFFFFC0];
	[tilespmem:s21+$0x1020 ss:$0x81] =	vst.msk $0xffff, v5;
	s20 =	sadd.s32 $0x80, s20  }
0x59: {  	s23 =	simm.s32 $0x4;
	s24 =	simm.s32 $0x8;
	s19 =	sor.u32 $0x8000, s19;
	[tilespmem:s21+$0x1830 ss:$0x81] =	vst.msk $0xffff, v6;
	v0 =	vld [tilespmem:s20+$0x30]  }
.LBB1_3:
0x5a: {  	p1 =	sne.s32 s24, $0x1FC;
	v5 =	vld [tilespmem:s20+$0xFFFFFFD0];
	[tilespmem:s21+$0x2040 ss:$0x81] =	vst.msk $0xffff, v4  }
0x5b: {  	v6 =	vld [tilespmem:s20+$0xFFFFFFE0];
	[tilespmem:s21+$0x2850 ss:$0x81] =	vst.msk $0xffff, v3  }
0x5c: {  	s25 =	sshra.s32 s23, $0x2;
	s23 =	smov.u32 s24;
	v7 =	vld [tilespmem:s20+$0xFFFFFFF0];
	[tilespmem:s21+$0x3060 ss:$0x81] =	vst.msk $0xffff, v2  }
.Ltmp3:
0x5d: {  	v4 =	vld [tilespmem:s20+$0x0];
	[tilespmem:s21+$0x0 ss:$0x81] =	vst.msk $0xffff, v1;
	s21 =	sadd.s32 s25, s22;
	(pc) =	sbr.rel @p1 .LBB1_3-.Ltmp3, $4  }
0x5e: {  	v3 =	vld [tilespmem:s20+$0x10];
	[tilespmem:s21+$0x3870 ss:$0x81] =	vst.msk $0xffff, v0  }
0x5f: {  	[tilespmem:s21+$0x810 ss:$0x81] =	vst.msk $0xffff, v5;
	v2 =	vld [tilespmem:s20+$0x20]  }
0x60: {  	v1 =	vld [tilespmem:s20+$0xFFFFFFC0];
	[tilespmem:s21+$0x1020 ss:$0x81] =	vst.msk $0xffff, v6;
	s20 =	sadd.s32 $0x80, s20  }
0x61: {  	s24 =	sadd.s32 $0x4, s24;
	v0 =	vld [tilespmem:s20+$0x30];
	[tilespmem:s21+$0x1830 ss:$0x81] =	vst.msk $0xffff, v7  }
.Ltmp4:
0x62: {  	_ = 	snop;
	(pc) =	sbr.rel .LBB1_4-.Ltmp4, $1  }
0x63: {  	_ =	sdelay $0x3  }
.LBB1_6:
0x64: {  	_ =	sfence.sel $0x180000  }
0x65: {  	s1 =	simm.s32 $0x1;
	[bflag:$0x0] =	sbarrier.arrive $0xFFFF  }
0x66: {  	s31 =	simm.s32 $0x2;
	[sflag:s1] =	ssyncpa.u1 $0x1  }
0x67: {  	[sflag:s31] =	ssyncpa.u1 $0x1  }
0x68: {  	p0 =	sne.s32 s3, $0x0;
	_ =	strace $0x90000047  }
0x69: {  	s0 =	sadd.s32 @!p0 $0x100000, s0;
	[bflag:$0x2] =	sbarrier.arrive $0xFFFF  }
0x6a: {  	[sflag:s0] =	ssyncadd.tile.s32 @!p0 $0x1;
	_ =	shalt  }
.Lfunc_end1:
_tile_overlayer_lowered:
.L_overlay_start_2:
0x6b: {  	(tag) =	ssettag $0x2  }
0x6c: {  	s0 =	rddreg [dreg:$0x0];
	s2 =	stileid.u32  }
0x6d: {  	s1 =	rddreg [dreg:$0x1];
	p0 =	sne.s32 s2, $0x0  }
0x6e: {  	s3 =	rddreg [dreg:$0x2];
	[bflag:$0x3] =	sbarrier.arrive $0xFFFF;
	s2 =	simm.s32 @!p0 $0x1C01  }
0x6f: {  	[timem:s3], [sflag:s2] =	dma.local @!p0 [hbm:s0], s1  }
0x70: {  	s0 =	simm.s32 @!p0 $0x1  }
0x71: {  	_ =	swait.ge @!p0 [sflag:s0], s1  }
0x72: {  	s1 =	ssub.s32 @!p0 $0x0, s1;
	[sflag:s0] =	ssyncset.done @!p0 $0x0  }
0x73: {  	[sflag:s0] =	ssyncadd.s32 @!p0 s1  }
0x74: {  	[bflag:$0x3] =	sbarrier.arrive $0xFFFF  }
0x75: {  	_ =	shalt  }

</sc_bundles>
